<compile_context>
chip_gen: v7x
topology: tpu7x:2x2x1
jax: 0.10.2.dev20260603
libtpu: 0.0.44.dev20260713+nightly
codegen_flags: <defaults>
</compile_context>

<pallas_src>
import functools

import jax
import jax.numpy as jnp
from jax import lax
from jax.experimental import pallas as pl
from jax.experimental.pallas import tpu as pltpu
from jax.experimental.pallas import tpu_sc as plsc

DIM = 128
BATCH = 16384
_NC = 2
_NS = 16
_NW = _NC * _NS
_B_PER_W = BATCH // _NW


_CHUNKS = 8
_ROWS = _B_PER_W // _CHUNKS
_VOCAB = 1000


@functools.partial(
    pl.kernel,
    mesh=plsc.VectorSubcoreMesh(core_axis_name="c", subcore_axis_name="s"),
    out_type=jax.ShapeDtypeStruct((BATCH, DIM), jnp.float32),
    scratch_types=[
        pltpu.VMEM((_B_PER_W,), jnp.int32),
        pltpu.VMEM((_CHUNKS, _ROWS, DIM), jnp.float32),
        pltpu.VMEM_SHARED((_VOCAB, DIM), jnp.float32),
        pltpu.SemaphoreType.DMA,
        pltpu.SemaphoreType.DMA,
    ],
)
def _gather_rows(idx_hbm, table_hbm, out_hbm, idx_v, rows_v, table_s, gsem, wsem):
    sid = lax.axis_index("s")
    wid = sid * _NC + lax.axis_index("c")
    base = wid * _B_PER_W
    icp = pltpu.async_copy(idx_hbm.at[pl.ds(base, _B_PER_W)], idx_v, wsem)
    _PIECES = tuple((t * 128, 128 if t < 7 else 104) for t in range(8))
    for t, (off, ln) in enumerate(_PIECES):
        @pl.when(sid == t)
        def _(off=off, ln=ln):
            pltpu.sync_copy(table_hbm.at[pl.ds(off, ln)], table_s.at[pl.ds(off, ln)])

    icp.wait()
    plsc.subcore_barrier()
    gathers = [
        pltpu.async_copy(
            table_s.at[idx_v.at[pl.ds(j * _ROWS, _ROWS)]], rows_v.at[j], gsem
        )
        for j in range(_CHUNKS)
    ]
    writes = []
    for j in range(_CHUNKS):
        gathers[j].wait()
        writes.append(
            pltpu.async_copy(
                rows_v.at[j], out_hbm.at[pl.ds(base + j * _ROWS, _ROWS)], wsem
            )
        )
    for w in writes:
        w.wait()


def kernel(x, table):
    out = _gather_rows(x.astype(jnp.int32), table)
    return out.reshape(BATCH, 1, DIM)

# --- scband reference (transcript-rebuilt; emitter-appended) ---
"""Pipeline reference for scband-time-embedding-37993280700603 (READ-ONLY COPY).

The authoritative reference and input builder live on the scoring server;
editing this copy changes nothing except your own understanding.
"""

import jax, jax.numpy as jnp
import numpy as np

DIM = 128
NUM_TIMESTEPS = 1000
NUM_TIME_EMBEDS = 1
BATCH = 16384


def setup_inputs(seed: int = 0) -> dict:
    key = jax.random.key(seed)
    k1, k2 = jax.random.split(key)
    x = jax.random.randint(k1, (BATCH,), 0, NUM_TIMESTEPS, dtype=jnp.int64 if jax.config.jax_enable_x64 else jnp.int32)
    # learned embedding table: nn.Embedding(num_timesteps, dim * num_time_embeds)
    table = jax.random.normal(k2, (NUM_TIMESTEPS, DIM * NUM_TIME_EMBEDS), dtype=jnp.float32)
    return {"x": x, "table": table}


def reference(x, table):
    # nn.Embedding lookup: table[x] -> [B, dim * num_time_embeds]
    emb = jnp.take(table, x, axis=0)
    # Rearrange('b (n d) -> b n d', n=num_time_embeds)
    emb = emb.reshape(emb.shape[0], NUM_TIME_EMBEDS, DIM)
    return emb

if __name__ == "__main__":
    import jax
    _d = setup_inputs()
    print(jax.jit(kernel)(*tuple(_d.values())))

</pallas_src>

<mosaic_0001>
#map = affine_map<(d0, d1) -> (0)>
#map1 = affine_map<(d0, d1) -> (0, 0)>
module attributes {stable_mosaic.version = 14 : i64} {
  func.func @_gather_rows(%arg0: i32, %arg1: i32, %arg2: memref<16384xi32, #tpu.memory_space<hbm>>, %arg3: memref<1000x128xf32, #tpu.memory_space<hbm>>, %arg4: memref<16384x128xf32, #tpu.memory_space<hbm>>, %arg5: memref<512xi32, #tpu.memory_space<vmem>>, %arg6: memref<8x64x128xf32, #tpu.memory_space<vmem>>, %arg7: memref<1000x128xf32, #tpu.memory_space<vmem_shared>>, %arg8: memref<!tpu.dma_semaphore, #tpu.memory_space<semaphore_mem>>, %arg9: memref<!tpu.dma_semaphore, #tpu.memory_space<semaphore_mem>>) attributes {dimension_semantics = [#tpu.dimension_semantics<core_parallel>, #tpu.dimension_semantics<subcore_parallel>], iteration_bounds = array<i64: 2, 16>, scalar_prefetch = 0 : i64, scratch_operands = 5 : i64, tpu.core_type = #tpu.core_type<sc_vector_subcore>, window_params = [{transform_indices = #map}, {transform_indices = #map1}, {transform_indices = #map1}]} {
    %mul3A = arith.constant 2 : i32
    %mul3A_0 = arith.muli %arg1, %mul3A : i32
    %add3A = arith.addi %mul3A_0, %arg0 : i32
    %mul3A_1 = arith.constant 512 : i32
    %mul3A_2 = arith.muli %add3A, %mul3A_1 : i32
    %dma_start3A = tpu.memref_slice %arg2[%mul3A_2] : memref<16384xi32, #tpu.memory_space<hbm>> -> memref<512xi32, #tpu.memory_space<hbm>>
    %dma_start3A_3 = tpu.memref_slice %arg2[%mul3A_2] : memref<16384xi32, #tpu.memory_space<hbm>> -> memref<512xi32, #tpu.memory_space<hbm>>
    tpu.enqueue_dma source(%dma_start3A_3 : memref<512xi32, #tpu.memory_space<hbm>>) target(%arg5 : memref<512xi32, #tpu.memory_space<vmem>>) target_semaphore(%arg9 : memref<!tpu.dma_semaphore, #tpu.memory_space<semaphore_mem>>)
    %eq3A = arith.constant 0 : i32
    %eq3A_4 = arith.cmpi eq, %arg1, %eq3A : i32
    %convert_element_type3A = arith.extui %eq3A_4 : i1 to i32
    %cond3A = arith.constant 0 : i32
    %cond3A_5 = arith.cmpi ne, %convert_element_type3A, %cond3A : i32
    scf.if %cond3A_5 {
      "tpu.region"() ({
        %run_scoped3A = tpu.sem_alloc : memref<!tpu.dma_semaphore, #tpu.memory_space<semaphore_mem>>
        %dma_start3A_426 = arith.constant 0 : i32
        %dma_start3A_427 = arith.constant 0 : i32
        %dma_start3A_428 = tpu.memref_slice %arg7[%dma_start3A_426, %dma_start3A_427] : memref<1000x128xf32, #tpu.memory_space<vmem_shared>> -> memref<128x128xf32, #tpu.memory_space<vmem_shared>>
        %dma_start3A_429 = arith.constant 0 : i32
        %dma_start3A_430 = arith.constant 0 : i32
        %dma_start3A_431 = tpu.memref_slice %arg3[%dma_start3A_429, %dma_start3A_430] : memref<1000x128xf32, #tpu.memory_space<hbm>> -> memref<128x128xf32, #tpu.memory_space<hbm>>
        tpu.enqueue_dma source(%dma_start3A_431 : memref<128x128xf32, #tpu.memory_space<hbm>>) target(%dma_start3A_428 : memref<128x128xf32, #tpu.memory_space<vmem_shared>>) target_semaphore(%run_scoped3A : memref<!tpu.dma_semaphore, #tpu.memory_space<semaphore_mem>>)
        %dma_wait3A_432 = arith.constant 0 : i32
        %dma_wait3A_433 = arith.constant 0 : i32
        %dma_wait3A_434 = tpu.memref_slice %arg7[%dma_wait3A_432, %dma_wait3A_433] : memref<1000x128xf32, #tpu.memory_space<vmem_shared>> -> memref<128x128xf32, #tpu.memory_space<vmem_shared>>
        %dma_wait3A_435 = arith.constant 0 : i32
        %dma_wait3A_436 = arith.constant 0 : i32
        %dma_wait3A_437 = tpu.memref_slice %arg3[%dma_wait3A_435, %dma_wait3A_436] : memref<1000x128xf32, #tpu.memory_space<hbm>> -> memref<128x128xf32, #tpu.memory_space<hbm>>
        tpu.wait_dma2 semaphore(%run_scoped3A : memref<!tpu.dma_semaphore, #tpu.memory_space<semaphore_mem>>) src(%dma_wait3A_437 : memref<128x128xf32, #tpu.memory_space<hbm>>) dst(%dma_wait3A_434 : memref<128x128xf32, #tpu.memory_space<vmem_shared>>)
        tpu.yield
      }) : () -> ()
    } else {
    }
    %eq3A_6 = arith.constant 1 : i32
    %eq3A_7 = arith.cmpi eq, %arg1, %eq3A_6 : i32
    %convert_element_type3A_8 = arith.extui %eq3A_7 : i1 to i32
    %cond3A_9 = arith.constant 0 : i32
    %cond3A_10 = arith.cmpi ne, %convert_element_type3A_8, %cond3A_9 : i32
    scf.if %cond3A_10 {
      "tpu.region"() ({
        %run_scoped3A = tpu.sem_alloc : memref<!tpu.dma_semaphore, #tpu.memory_space<semaphore_mem>>
        %dma_start3A_426 = arith.constant 128 : i32
        %dma_start3A_427 = arith.constant 0 : i32
        %dma_start3A_428 = tpu.memref_slice %arg7[%dma_start3A_426, %dma_start3A_427] : memref<1000x128xf32, #tpu.memory_space<vmem_shared>> -> memref<128x128xf32, #tpu.memory_space<vmem_shared>>
        %dma_start3A_429 = arith.constant 128 : i32
        %dma_start3A_430 = arith.constant 0 : i32
        %dma_start3A_431 = tpu.memref_slice %arg3[%dma_start3A_429, %dma_start3A_430] : memref<1000x128xf32, #tpu.memory_space<hbm>> -> memref<128x128xf32, #tpu.memory_space<hbm>>
        tpu.enqueue_dma source(%dma_start3A_431 : memref<128x128xf32, #tpu.memory_space<hbm>>) target(%dma_start3A_428 : memref<128x128xf32, #tpu.memory_space<vmem_shared>>) target_semaphore(%run_scoped3A : memref<!tpu.dma_semaphore, #tpu.memory_space<semaphore_mem>>)
        %dma_wait3A_432 = arith.constant 128 : i32
        %dma_wait3A_433 = arith.constant 0 : i32
        %dma_wait3A_434 = tpu.memref_slice %arg7[%dma_wait3A_432, %dma_wait3A_433] : memref<1000x128xf32, #tpu.memory_space<vmem_shared>> -> memref<128x128xf32, #tpu.memory_space<vmem_shared>>
        %dma_wait3A_435 = arith.constant 128 : i32
        %dma_wait3A_436 = arith.constant 0 : i32
        %dma_wait3A_437 = tpu.memref_slice %arg3[%dma_wait3A_435, %dma_wait3A_436] : memref<1000x128xf32, #tpu.memory_space<hbm>> -> memref<128x128xf32, #tpu.memory_space<hbm>>
        tpu.wait_dma2 semaphore(%run_scoped3A : memref<!tpu.dma_semaphore, #tpu.memory_space<semaphore_mem>>) src(%dma_wait3A_437 : memref<128x128xf32, #tpu.memory_space<hbm>>) dst(%dma_wait3A_434 : memref<128x128xf32, #tpu.memory_space<vmem_shared>>)
        tpu.yield
      }) : () -> ()
    } else {
    }
    %eq3A_11 = arith.constant 2 : i32
    %eq3A_12 = arith.cmpi eq, %arg1, %eq3A_11 : i32
    %convert_element_type3A_13 = arith.extui %eq3A_12 : i1 to i32
    %cond3A_14 = arith.constant 0 : i32
    %cond3A_15 = arith.cmpi ne, %convert_element_type3A_13, %cond3A_14 : i32
    scf.if %cond3A_15 {
      "tpu.region"() ({
        %run_scoped3A = tpu.sem_alloc : memref<!tpu.dma_semaphore, #tpu.memory_space<semaphore_mem>>
        %dma_start3A_426 = arith.constant 256 : i32
        %dma_start3A_427 = arith.constant 0 : i32
        %dma_start3A_428 = tpu.memref_slice %arg7[%dma_start3A_426, %dma_start3A_427] : memref<1000x128xf32, #tpu.memory_space<vmem_shared>> -> memref<128x128xf32, #tpu.memory_space<vmem_shared>>
        %dma_start3A_429 = arith.constant 256 : i32
        %dma_start3A_430 = arith.constant 0 : i32
        %dma_start3A_431 = tpu.memref_slice %arg3[%dma_start3A_429, %dma_start3A_430] : memref<1000x128xf32, #tpu.memory_space<hbm>> -> memref<128x128xf32, #tpu.memory_space<hbm>>
        tpu.enqueue_dma source(%dma_start3A_431 : memref<128x128xf32, #tpu.memory_space<hbm>>) target(%dma_start3A_428 : memref<128x128xf32, #tpu.memory_space<vmem_shared>>) target_semaphore(%run_scoped3A : memref<!tpu.dma_semaphore, #tpu.memory_space<semaphore_mem>>)
        %dma_wait3A_432 = arith.constant 256 : i32
        %dma_wait3A_433 = arith.constant 0 : i32
        %dma_wait3A_434 = tpu.memref_slice %arg7[%dma_wait3A_432, %dma_wait3A_433] : memref<1000x128xf32, #tpu.memory_space<vmem_shared>> -> memref<128x128xf32, #tpu.memory_space<vmem_shared>>
        %dma_wait3A_435 = arith.constant 256 : i32
        %dma_wait3A_436 = arith.constant 0 : i32
        %dma_wait3A_437 = tpu.memref_slice %arg3[%dma_wait3A_435, %dma_wait3A_436] : memref<1000x128xf32, #tpu.memory_space<hbm>> -> memref<128x128xf32, #tpu.memory_space<hbm>>
        tpu.wait_dma2 semaphore(%run_scoped3A : memref<!tpu.dma_semaphore, #tpu.memory_space<semaphore_mem>>) src(%dma_wait3A_437 : memref<128x128xf32, #tpu.memory_space<hbm>>) dst(%dma_wait3A_434 : memref<128x128xf32, #tpu.memory_space<vmem_shared>>)
        tpu.yield
      }) : () -> ()
    } else {
    }
    %eq3A_16 = arith.constant 3 : i32
    %eq3A_17 = arith.cmpi eq, %arg1, %eq3A_16 : i32
    %convert_element_type3A_18 = arith.extui %eq3A_17 : i1 to i32
    %cond3A_19 = arith.constant 0 : i32
    %cond3A_20 = arith.cmpi ne, %convert_element_type3A_18, %cond3A_19 : i32
    scf.if %cond3A_20 {
      "tpu.region"() ({
        %run_scoped3A = tpu.sem_alloc : memref<!tpu.dma_semaphore, #tpu.memory_space<semaphore_mem>>
        %dma_start3A_426 = arith.constant 384 : i32
        %dma_start3A_427 = arith.constant 0 : i32
        %dma_start3A_428 = tpu.memref_slice %arg7[%dma_start3A_426, %dma_start3A_427] : memref<1000x128xf32, #tpu.memory_space<vmem_shared>> -> memref<128x128xf32, #tpu.memory_space<vmem_shared>>
        %dma_start3A_429 = arith.constant 384 : i32
        %dma_start3A_430 = arith.constant 0 : i32
        %dma_start3A_431 = tpu.memref_slice %arg3[%dma_start3A_429, %dma_start3A_430] : memref<1000x128xf32, #tpu.memory_space<hbm>> -> memref<128x128xf32, #tpu.memory_space<hbm>>
        tpu.enqueue_dma source(%dma_start3A_431 : memref<128x128xf32, #tpu.memory_space<hbm>>) target(%dma_start3A_428 : memref<128x128xf32, #tpu.memory_space<vmem_shared>>) target_semaphore(%run_scoped3A : memref<!tpu.dma_semaphore, #tpu.memory_space<semaphore_mem>>)
        %dma_wait3A_432 = arith.constant 384 : i32
        %dma_wait3A_433 = arith.constant 0 : i32
        %dma_wait3A_434 = tpu.memref_slice %arg7[%dma_wait3A_432, %dma_wait3A_433] : memref<1000x128xf32, #tpu.memory_space<vmem_shared>> -> memref<128x128xf32, #tpu.memory_space<vmem_shared>>
        %dma_wait3A_435 = arith.constant 384 : i32
        %dma_wait3A_436 = arith.constant 0 : i32
        %dma_wait3A_437 = tpu.memref_slice %arg3[%dma_wait3A_435, %dma_wait3A_436] : memref<1000x128xf32, #tpu.memory_space<hbm>> -> memref<128x128xf32, #tpu.memory_space<hbm>>
        tpu.wait_dma2 semaphore(%run_scoped3A : memref<!tpu.dma_semaphore, #tpu.memory_space<semaphore_mem>>) src(%dma_wait3A_437 : memref<128x128xf32, #tpu.memory_space<hbm>>) dst(%dma_wait3A_434 : memref<128x128xf32, #tpu.memory_space<vmem_shared>>)
        tpu.yield
      }) : () -> ()
    } else {
    }
    %eq3A_21 = arith.constant 4 : i32
    %eq3A_22 = arith.cmpi eq, %arg1, %eq3A_21 : i32
    %convert_element_type3A_23 = arith.extui %eq3A_22 : i1 to i32
    %cond3A_24 = arith.constant 0 : i32
    %cond3A_25 = arith.cmpi ne, %convert_element_type3A_23, %cond3A_24 : i32
    scf.if %cond3A_25 {
      "tpu.region"() ({
        %run_scoped3A = tpu.sem_alloc : memref<!tpu.dma_semaphore, #tpu.memory_space<semaphore_mem>>
        %dma_start3A_426 = arith.constant 512 : i32
        %dma_start3A_427 = arith.constant 0 : i32
        %dma_start3A_428 = tpu.memref_slice %arg7[%dma_start3A_426, %dma_start3A_427] : memref<1000x128xf32, #tpu.memory_space<vmem_shared>> -> memref<128x128xf32, #tpu.memory_space<vmem_shared>>
        %dma_start3A_429 = arith.constant 512 : i32
        %dma_start3A_430 = arith.constant 0 : i32
        %dma_start3A_431 = tpu.memref_slice %arg3[%dma_start3A_429, %dma_start3A_430] : memref<1000x128xf32, #tpu.memory_space<hbm>> -> memref<128x128xf32, #tpu.memory_space<hbm>>
        tpu.enqueue_dma source(%dma_start3A_431 : memref<128x128xf32, #tpu.memory_space<hbm>>) target(%dma_start3A_428 : memref<128x128xf32, #tpu.memory_space<vmem_shared>>) target_semaphore(%run_scoped3A : memref<!tpu.dma_semaphore, #tpu.memory_space<semaphore_mem>>)
        %dma_wait3A_432 = arith.constant 512 : i32
        %dma_wait3A_433 = arith.constant 0 : i32
        %dma_wait3A_434 = tpu.memref_slice %arg7[%dma_wait3A_432, %dma_wait3A_433] : memref<1000x128xf32, #tpu.memory_space<vmem_shared>> -> memref<128x128xf32, #tpu.memory_space<vmem_shared>>
        %dma_wait3A_435 = arith.constant 512 : i32
        %dma_wait3A_436 = arith.constant 0 : i32
        %dma_wait3A_437 = tpu.memref_slice %arg3[%dma_wait3A_435, %dma_wait3A_436] : memref<1000x128xf32, #tpu.memory_space<hbm>> -> memref<128x128xf32, #tpu.memory_space<hbm>>
        tpu.wait_dma2 semaphore(%run_scoped3A : memref<!tpu.dma_semaphore, #tpu.memory_space<semaphore_mem>>) src(%dma_wait3A_437 : memref<128x128xf32, #tpu.memory_space<hbm>>) dst(%dma_wait3A_434 : memref<128x128xf32, #tpu.memory_space<vmem_shared>>)
        tpu.yield
      }) : () -> ()
    } else {
    }
    %eq3A_26 = arith.constant 5 : i32
    %eq3A_27 = arith.cmpi eq, %arg1, %eq3A_26 : i32
    %convert_element_type3A_28 = arith.extui %eq3A_27 : i1 to i32
    %cond3A_29 = arith.constant 0 : i32
    %cond3A_30 = arith.cmpi ne, %convert_element_type3A_28, %cond3A_29 : i32
    scf.if %cond3A_30 {
      "tpu.region"() ({
        %run_scoped3A = tpu.sem_alloc : memref<!tpu.dma_semaphore, #tpu.memory_space<semaphore_mem>>
        %dma_start3A_426 = arith.constant 640 : i32
        %dma_start3A_427 = arith.constant 0 : i32
        %dma_start3A_428 = tpu.memref_slice %arg7[%dma_start3A_426, %dma_start3A_427] : memref<1000x128xf32, #tpu.memory_space<vmem_shared>> -> memref<128x128xf32, #tpu.memory_space<vmem_shared>>
        %dma_start3A_429 = arith.constant 640 : i32
        %dma_start3A_430 = arith.constant 0 : i32
        %dma_start3A_431 = tpu.memref_slice %arg3[%dma_start3A_429, %dma_start3A_430] : memref<1000x128xf32, #tpu.memory_space<hbm>> -> memref<128x128xf32, #tpu.memory_space<hbm>>
        tpu.enqueue_dma source(%dma_start3A_431 : memref<128x128xf32, #tpu.memory_space<hbm>>) target(%dma_start3A_428 : memref<128x128xf32, #tpu.memory_space<vmem_shared>>) target_semaphore(%run_scoped3A : memref<!tpu.dma_semaphore, #tpu.memory_space<semaphore_mem>>)
        %dma_wait3A_432 = arith.constant 640 : i32
        %dma_wait3A_433 = arith.constant 0 : i32
        %dma_wait3A_434 = tpu.memref_slice %arg7[%dma_wait3A_432, %dma_wait3A_433] : memref<1000x128xf32, #tpu.memory_space<vmem_shared>> -> memref<128x128xf32, #tpu.memory_space<vmem_shared>>
        %dma_wait3A_435 = arith.constant 640 : i32
        %dma_wait3A_436 = arith.constant 0 : i32
        %dma_wait3A_437 = tpu.memref_slice %arg3[%dma_wait3A_435, %dma_wait3A_436] : memref<1000x128xf32, #tpu.memory_space<hbm>> -> memref<128x128xf32, #tpu.memory_space<hbm>>
        tpu.wait_dma2 semaphore(%run_scoped3A : memref<!tpu.dma_semaphore, #tpu.memory_space<semaphore_mem>>) src(%dma_wait3A_437 : memref<128x128xf32, #tpu.memory_space<hbm>>) dst(%dma_wait3A_434 : memref<128x128xf32, #tpu.memory_space<vmem_shared>>)
        tpu.yield
      }) : () -> ()
    } else {
    }
    %eq3A_31 = arith.constant 6 : i32
    %eq3A_32 = arith.cmpi eq, %arg1, %eq3A_31 : i32
    %convert_element_type3A_33 = arith.extui %eq3A_32 : i1 to i32
    %cond3A_34 = arith.constant 0 : i32
    %cond3A_35 = arith.cmpi ne, %convert_element_type3A_33, %cond3A_34 : i32
    scf.if %cond3A_35 {
      "tpu.region"() ({
        %run_scoped3A = tpu.sem_alloc : memref<!tpu.dma_semaphore, #tpu.memory_space<semaphore_mem>>
        %dma_start3A_426 = arith.constant 768 : i32
        %dma_start3A_427 = arith.constant 0 : i32
        %dma_start3A_428 = tpu.memref_slice %arg7[%dma_start3A_426, %dma_start3A_427] : memref<1000x128xf32, #tpu.memory_space<vmem_shared>> -> memref<128x128xf32, #tpu.memory_space<vmem_shared>>
        %dma_start3A_429 = arith.constant 768 : i32
        %dma_start3A_430 = arith.constant 0 : i32
        %dma_start3A_431 = tpu.memref_slice %arg3[%dma_start3A_429, %dma_start3A_430] : memref<1000x128xf32, #tpu.memory_space<hbm>> -> memref<128x128xf32, #tpu.memory_space<hbm>>
        tpu.enqueue_dma source(%dma_start3A_431 : memref<128x128xf32, #tpu.memory_space<hbm>>) target(%dma_start3A_428 : memref<128x128xf32, #tpu.memory_space<vmem_shared>>) target_semaphore(%run_scoped3A : memref<!tpu.dma_semaphore, #tpu.memory_space<semaphore_mem>>)
        %dma_wait3A_432 = arith.constant 768 : i32
        %dma_wait3A_433 = arith.constant 0 : i32
        %dma_wait3A_434 = tpu.memref_slice %arg7[%dma_wait3A_432, %dma_wait3A_433] : memref<1000x128xf32, #tpu.memory_space<vmem_shared>> -> memref<128x128xf32, #tpu.memory_space<vmem_shared>>
        %dma_wait3A_435 = arith.constant 768 : i32
        %dma_wait3A_436 = arith.constant 0 : i32
        %dma_wait3A_437 = tpu.memref_slice %arg3[%dma_wait3A_435, %dma_wait3A_436] : memref<1000x128xf32, #tpu.memory_space<hbm>> -> memref<128x128xf32, #tpu.memory_space<hbm>>
        tpu.wait_dma2 semaphore(%run_scoped3A : memref<!tpu.dma_semaphore, #tpu.memory_space<semaphore_mem>>) src(%dma_wait3A_437 : memref<128x128xf32, #tpu.memory_space<hbm>>) dst(%dma_wait3A_434 : memref<128x128xf32, #tpu.memory_space<vmem_shared>>)
        tpu.yield
      }) : () -> ()
    } else {
    }
    %eq3A_36 = arith.constant 7 : i32
    %eq3A_37 = arith.cmpi eq, %arg1, %eq3A_36 : i32
    %convert_element_type3A_38 = arith.extui %eq3A_37 : i1 to i32
    %cond3A_39 = arith.constant 0 : i32
    %cond3A_40 = arith.cmpi ne, %convert_element_type3A_38, %cond3A_39 : i32
    scf.if %cond3A_40 {
      "tpu.region"() ({
        %run_scoped3A = tpu.sem_alloc : memref<!tpu.dma_semaphore, #tpu.memory_space<semaphore_mem>>
        %dma_start3A_426 = arith.constant 896 : i32
        %dma_start3A_427 = arith.constant 0 : i32
        %dma_start3A_428 = tpu.memref_slice %arg7[%dma_start3A_426, %dma_start3A_427] : memref<1000x128xf32, #tpu.memory_space<vmem_shared>> -> memref<104x128xf32, #tpu.memory_space<vmem_shared>>
        %dma_start3A_429 = arith.constant 896 : i32
        %dma_start3A_430 = arith.constant 0 : i32
        %dma_start3A_431 = tpu.memref_slice %arg3[%dma_start3A_429, %dma_start3A_430] : memref<1000x128xf32, #tpu.memory_space<hbm>> -> memref<104x128xf32, #tpu.memory_space<hbm>>
        tpu.enqueue_dma source(%dma_start3A_431 : memref<104x128xf32, #tpu.memory_space<hbm>>) target(%dma_start3A_428 : memref<104x128xf32, #tpu.memory_space<vmem_shared>>) target_semaphore(%run_scoped3A : memref<!tpu.dma_semaphore, #tpu.memory_space<semaphore_mem>>)
        %dma_wait3A_432 = arith.constant 896 : i32
        %dma_wait3A_433 = arith.constant 0 : i32
        %dma_wait3A_434 = tpu.memref_slice %arg7[%dma_wait3A_432, %dma_wait3A_433] : memref<1000x128xf32, #tpu.memory_space<vmem_shared>> -> memref<104x128xf32, #tpu.memory_space<vmem_shared>>
        %dma_wait3A_435 = arith.constant 896 : i32
        %dma_wait3A_436 = arith.constant 0 : i32
        %dma_wait3A_437 = tpu.memref_slice %arg3[%dma_wait3A_435, %dma_wait3A_436] : memref<1000x128xf32, #tpu.memory_space<hbm>> -> memref<104x128xf32, #tpu.memory_space<hbm>>
        tpu.wait_dma2 semaphore(%run_scoped3A : memref<!tpu.dma_semaphore, #tpu.memory_space<semaphore_mem>>) src(%dma_wait3A_437 : memref<104x128xf32, #tpu.memory_space<hbm>>) dst(%dma_wait3A_434 : memref<104x128xf32, #tpu.memory_space<vmem_shared>>)
        tpu.yield
      }) : () -> ()
    } else {
    }
    %dma_wait3A = tpu.memref_slice %arg2[%mul3A_2] : memref<16384xi32, #tpu.memory_space<hbm>> -> memref<512xi32, #tpu.memory_space<hbm>>
    %dma_wait3A_41 = tpu.memref_slice %arg2[%mul3A_2] : memref<16384xi32, #tpu.memory_space<hbm>> -> memref<512xi32, #tpu.memory_space<hbm>>
    tpu.wait_dma2 semaphore(%arg9 : memref<!tpu.dma_semaphore, #tpu.memory_space<semaphore_mem>>) src(%dma_wait3A_41 : memref<512xi32, #tpu.memory_space<hbm>>) dst(%arg5 : memref<512xi32, #tpu.memory_space<vmem>>)
    %barrier3A = arith.constant 0 : index
    tpu.barrier barrier_id(%barrier3A)
    %dma_start3A_42 = arith.constant 0 : i32
    %dma_start3A_43 = arith.constant 0 : i32
    %dma_start3A_44 = arith.constant 0 : i32
    %dma_start3A_45 = tpu.memref_slice %arg6[%dma_start3A_42, %dma_start3A_43, %dma_start3A_44] : memref<8x64x128xf32, #tpu.memory_space<vmem>> -> memref<1x64x128xf32, #tpu.memory_space<vmem>>
    %dma_start3A_46 = tpu.memref_squeeze %dma_start3A_45 : memref<1x64x128xf32, #tpu.memory_space<vmem>> -> memref<64x128xf32, #tpu.memory_space<vmem>>
    %dma_start3A_47 = arith.constant 0 : i32
    %dma_start3A_48 = tpu.memref_slice %arg5[%dma_start3A_47] : memref<512xi32, #tpu.memory_space<vmem>> -> memref<64xi32, #tpu.memory_space<vmem>>
    %dma_start3A_49 = arith.constant 0 : i32
    %dma_start3A_50 = arith.constant 0 : i32
    %dma_start3A_51 = tpu.memref_slice %arg7[%dma_start3A_49, %dma_start3A_50] : memref<1000x128xf32, #tpu.memory_space<vmem_shared>> -> memref<1000x128xf32, #tpu.memory_space<vmem_shared>>
    tpu.enqueue_indirect_dma source(%dma_start3A_51 : memref<1000x128xf32, #tpu.memory_space<vmem_shared>>) target(%dma_start3A_46 : memref<64x128xf32, #tpu.memory_space<vmem>>) offsets(%dma_start3A_48 : memref<64xi32, #tpu.memory_space<vmem>>) semaphore(%arg8 : memref<!tpu.dma_semaphore, #tpu.memory_space<semaphore_mem>>)
    %dma_start3A_52 = arith.constant 1 : i32
    %dma_start3A_53 = arith.constant 0 : i32
    %dma_start3A_54 = arith.constant 0 : i32
    %dma_start3A_55 = tpu.memref_slice %arg6[%dma_start3A_52, %dma_start3A_53, %dma_start3A_54] : memref<8x64x128xf32, #tpu.memory_space<vmem>> -> memref<1x64x128xf32, #tpu.memory_space<vmem>>
    %dma_start3A_56 = tpu.memref_squeeze %dma_start3A_55 : memref<1x64x128xf32, #tpu.memory_space<vmem>> -> memref<64x128xf32, #tpu.memory_space<vmem>>
    %dma_start3A_57 = arith.constant 64 : i32
    %dma_start3A_58 = tpu.memref_slice %arg5[%dma_start3A_57] : memref<512xi32, #tpu.memory_space<vmem>> -> memref<64xi32, #tpu.memory_space<vmem>>
    %dma_start3A_59 = arith.constant 0 : i32
    %dma_start3A_60 = arith.constant 0 : i32
    %dma_start3A_61 = tpu.memref_slice %arg7[%dma_start3A_59, %dma_start3A_60] : memref<1000x128xf32, #tpu.memory_space<vmem_shared>> -> memref<1000x128xf32, #tpu.memory_space<vmem_shared>>
    tpu.enqueue_indirect_dma source(%dma_start3A_61 : memref<1000x128xf32, #tpu.memory_space<vmem_shared>>) target(%dma_start3A_56 : memref<64x128xf32, #tpu.memory_space<vmem>>) offsets(%dma_start3A_58 : memref<64xi32, #tpu.memory_space<vmem>>) semaphore(%arg8 : memref<!tpu.dma_semaphore, #tpu.memory_space<semaphore_mem>>)
    %dma_start3A_62 = arith.constant 2 : i32
    %dma_start3A_63 = arith.constant 0 : i32
    %dma_start3A_64 = arith.constant 0 : i32
    %dma_start3A_65 = tpu.memref_slice %arg6[%dma_start3A_62, %dma_start3A_63, %dma_start3A_64] : memref<8x64x128xf32, #tpu.memory_space<vmem>> -> memref<1x64x128xf32, #tpu.memory_space<vmem>>
    %dma_start3A_66 = tpu.memref_squeeze %dma_start3A_65 : memref<1x64x128xf32, #tpu.memory_space<vmem>> -> memref<64x128xf32, #tpu.memory_space<vmem>>
    %dma_start3A_67 = arith.constant 128 : i32
    %dma_start3A_68 = tpu.memref_slice %arg5[%dma_start3A_67] : memref<512xi32, #tpu.memory_space<vmem>> -> memref<64xi32, #tpu.memory_space<vmem>>
    %dma_start3A_69 = arith.constant 0 : i32
    %dma_start3A_70 = arith.constant 0 : i32
    %dma_start3A_71 = tpu.memref_slice %arg7[%dma_start3A_69, %dma_start3A_70] : memref<1000x128xf32, #tpu.memory_space<vmem_shared>> -> memref<1000x128xf32, #tpu.memory_space<vmem_shared>>
    tpu.enqueue_indirect_dma source(%dma_start3A_71 : memref<1000x128xf32, #tpu.memory_space<vmem_shared>>) target(%dma_start3A_66 : memref<64x128xf32, #tpu.memory_space<vmem>>) offsets(%dma_start3A_68 : memref<64xi32, #tpu.memory_space<vmem>>) semaphore(%arg8 : memref<!tpu.dma_semaphore, #tpu.memory_space<semaphore_mem>>)
    %dma_start3A_72 = arith.constant 3 : i32
    %dma_start3A_73 = arith.constant 0 : i32
    %dma_start3A_74 = arith.constant 0 : i32
    %dma_start3A_75 = tpu.memref_slice %arg6[%dma_start3A_72, %dma_start3A_73, %dma_start3A_74] : memref<8x64x128xf32, #tpu.memory_space<vmem>> -> memref<1x64x128xf32, #tpu.memory_space<vmem>>
    %dma_start3A_76 = tpu.memref_squeeze %dma_start3A_75 : memref<1x64x128xf32, #tpu.memory_space<vmem>> -> memref<64x128xf32, #tpu.memory_space<vmem>>
    %dma_start3A_77 = arith.constant 192 : i32
    %dma_start3A_78 = tpu.memref_slice %arg5[%dma_start3A_77] : memref<512xi32, #tpu.memory_space<vmem>> -> memref<64xi32, #tpu.memory_space<vmem>>
    %dma_start3A_79 = arith.constant 0 : i32
    %dma_start3A_80 = arith.constant 0 : i32
    %dma_start3A_81 = tpu.memref_slice %arg7[%dma_start3A_79, %dma_start3A_80] : memref<1000x128xf32, #tpu.memory_space<vmem_shared>> -> memref<1000x128xf32, #tpu.memory_space<vmem_shared>>
    tpu.enqueue_indirect_dma source(%dma_start3A_81 : memref<1000x128xf32, #tpu.memory_space<vmem_shared>>) target(%dma_start3A_76 : memref<64x128xf32, #tpu.memory_space<vmem>>) offsets(%dma_start3A_78 : memref<64xi32, #tpu.memory_space<vmem>>) semaphore(%arg8 : memref<!tpu.dma_semaphore, #tpu.memory_space<semaphore_mem>>)
    %dma_start3A_82 = arith.constant 4 : i32
    %dma_start3A_83 = arith.constant 0 : i32
    %dma_start3A_84 = arith.constant 0 : i32
    %dma_start3A_85 = tpu.memref_slice %arg6[%dma_start3A_82, %dma_start3A_83, %dma_start3A_84] : memref<8x64x128xf32, #tpu.memory_space<vmem>> -> memref<1x64x128xf32, #tpu.memory_space<vmem>>
    %dma_start3A_86 = tpu.memref_squeeze %dma_start3A_85 : memref<1x64x128xf32, #tpu.memory_space<vmem>> -> memref<64x128xf32, #tpu.memory_space<vmem>>
    %dma_start3A_87 = arith.constant 256 : i32
    %dma_start3A_88 = tpu.memref_slice %arg5[%dma_start3A_87] : memref<512xi32, #tpu.memory_space<vmem>> -> memref<64xi32, #tpu.memory_space<vmem>>
    %dma_start3A_89 = arith.constant 0 : i32
    %dma_start3A_90 = arith.constant 0 : i32
    %dma_start3A_91 = tpu.memref_slice %arg7[%dma_start3A_89, %dma_start3A_90] : memref<1000x128xf32, #tpu.memory_space<vmem_shared>> -> memref<1000x128xf32, #tpu.memory_space<vmem_shared>>
    tpu.enqueue_indirect_dma source(%dma_start3A_91 : memref<1000x128xf32, #tpu.memory_space<vmem_shared>>) target(%dma_start3A_86 : memref<64x128xf32, #tpu.memory_space<vmem>>) offsets(%dma_start3A_88 : memref<64xi32, #tpu.memory_space<vmem>>) semaphore(%arg8 : memref<!tpu.dma_semaphore, #tpu.memory_space<semaphore_mem>>)
    %dma_start3A_92 = arith.constant 5 : i32
    %dma_start3A_93 = arith.constant 0 : i32
    %dma_start3A_94 = arith.constant 0 : i32
    %dma_start3A_95 = tpu.memref_slice %arg6[%dma_start3A_92, %dma_start3A_93, %dma_start3A_94] : memref<8x64x128xf32, #tpu.memory_space<vmem>> -> memref<1x64x128xf32, #tpu.memory_space<vmem>>
    %dma_start3A_96 = tpu.memref_squeeze %dma_start3A_95 : memref<1x64x128xf32, #tpu.memory_space<vmem>> -> memref<64x128xf32, #tpu.memory_space<vmem>>
    %dma_start3A_97 = arith.constant 320 : i32
    %dma_start3A_98 = tpu.memref_slice %arg5[%dma_start3A_97] : memref<512xi32, #tpu.memory_space<vmem>> -> memref<64xi32, #tpu.memory_space<vmem>>
    %dma_start3A_99 = arith.constant 0 : i32
    %dma_start3A_100 = arith.constant 0 : i32
    %dma_start3A_101 = tpu.memref_slice %arg7[%dma_start3A_99, %dma_start3A_100] : memref<1000x128xf32, #tpu.memory_space<vmem_shared>> -> memref<1000x128xf32, #tpu.memory_space<vmem_shared>>
    tpu.enqueue_indirect_dma source(%dma_start3A_101 : memref<1000x128xf32, #tpu.memory_space<vmem_shared>>) target(%dma_start3A_96 : memref<64x128xf32, #tpu.memory_space<vmem>>) offsets(%dma_start3A_98 : memref<64xi32, #tpu.memory_space<vmem>>) semaphore(%arg8 : memref<!tpu.dma_semaphore, #tpu.memory_space<semaphore_mem>>)
    %dma_start3A_102 = arith.constant 6 : i32
    %dma_start3A_103 = arith.constant 0 : i32
    %dma_start3A_104 = arith.constant 0 : i32
    %dma_start3A_105 = tpu.memref_slice %arg6[%dma_start3A_102, %dma_start3A_103, %dma_start3A_104] : memref<8x64x128xf32, #tpu.memory_space<vmem>> -> memref<1x64x128xf32, #tpu.memory_space<vmem>>
    %dma_start3A_106 = tpu.memref_squeeze %dma_start3A_105 : memref<1x64x128xf32, #tpu.memory_space<vmem>> -> memref<64x128xf32, #tpu.memory_space<vmem>>
    %dma_start3A_107 = arith.constant 384 : i32
    %dma_start3A_108 = tpu.memref_slice %arg5[%dma_start3A_107] : memref<512xi32, #tpu.memory_space<vmem>> -> memref<64xi32, #tpu.memory_space<vmem>>
    %dma_start3A_109 = arith.constant 0 : i32
    %dma_start3A_110 = arith.constant 0 : i32
    %dma_start3A_111 = tpu.memref_slice %arg7[%dma_start3A_109, %dma_start3A_110] : memref<1000x128xf32, #tpu.memory_space<vmem_shared>> -> memref<1000x128xf32, #tpu.memory_space<vmem_shared>>
    tpu.enqueue_indirect_dma source(%dma_start3A_111 : memref<1000x128xf32, #tpu.memory_space<vmem_shared>>) target(%dma_start3A_106 : memref<64x128xf32, #tpu.memory_space<vmem>>) offsets(%dma_start3A_108 : memref<64xi32, #tpu.memory_space<vmem>>) semaphore(%arg8 : memref<!tpu.dma_semaphore, #tpu.memory_space<semaphore_mem>>)
    %dma_start3A_112 = arith.constant 7 : i32
    %dma_start3A_113 = arith.constant 0 : i32
    %dma_start3A_114 = arith.constant 0 : i32
    %dma_start3A_115 = tpu.memref_slice %arg6[%dma_start3A_112, %dma_start3A_113, %dma_start3A_114] : memref<8x64x128xf32, #tpu.memory_space<vmem>> -> memref<1x64x128xf32, #tpu.memory_space<vmem>>
    %dma_start3A_116 = tpu.memref_squeeze %dma_start3A_115 : memref<1x64x128xf32, #tpu.memory_space<vmem>> -> memref<64x128xf32, #tpu.memory_space<vmem>>
    %dma_start3A_117 = arith.constant 448 : i32
    %dma_start3A_118 = tpu.memref_slice %arg5[%dma_start3A_117] : memref<512xi32, #tpu.memory_space<vmem>> -> memref<64xi32, #tpu.memory_space<vmem>>
    %dma_start3A_119 = arith.constant 0 : i32
    %dma_start3A_120 = arith.constant 0 : i32
    %dma_start3A_121 = tpu.memref_slice %arg7[%dma_start3A_119, %dma_start3A_120] : memref<1000x128xf32, #tpu.memory_space<vmem_shared>> -> memref<1000x128xf32, #tpu.memory_space<vmem_shared>>
    tpu.enqueue_indirect_dma source(%dma_start3A_121 : memref<1000x128xf32, #tpu.memory_space<vmem_shared>>) target(%dma_start3A_116 : memref<64x128xf32, #tpu.memory_space<vmem>>) offsets(%dma_start3A_118 : memref<64xi32, #tpu.memory_space<vmem>>) semaphore(%arg8 : memref<!tpu.dma_semaphore, #tpu.memory_space<semaphore_mem>>)
    %dma_wait3A_122 = arith.constant 0 : i32
    %dma_wait3A_123 = arith.constant 0 : i32
    %dma_wait3A_124 = arith.constant 0 : i32
    %dma_wait3A_125 = tpu.memref_slice %arg6[%dma_wait3A_122, %dma_wait3A_123, %dma_wait3A_124] : memref<8x64x128xf32, #tpu.memory_space<vmem>> -> memref<1x64x128xf32, #tpu.memory_space<vmem>>
    %dma_wait3A_126 = tpu.memref_squeeze %dma_wait3A_125 : memref<1x64x128xf32, #tpu.memory_space<vmem>> -> memref<64x128xf32, #tpu.memory_space<vmem>>
    %dma_wait3A_127 = arith.constant 0 : i32
    %dma_wait3A_128 = tpu.memref_slice %arg5[%dma_wait3A_127] : memref<512xi32, #tpu.memory_space<vmem>> -> memref<64xi32, #tpu.memory_space<vmem>>
    %dma_wait3A_129 = arith.constant 0 : i32
    %dma_wait3A_130 = arith.constant 0 : i32
    %dma_wait3A_131 = tpu.memref_slice %arg7[%dma_wait3A_129, %dma_wait3A_130] : memref<1000x128xf32, #tpu.memory_space<vmem_shared>> -> memref<1000x128xf32, #tpu.memory_space<vmem_shared>>
    tpu.wait_indirect_dma semaphore(%arg8 : memref<!tpu.dma_semaphore, #tpu.memory_space<semaphore_mem>>) src(%dma_wait3A_131 : memref<1000x128xf32, #tpu.memory_space<vmem_shared>>) dst(%dma_wait3A_126 : memref<64x128xf32, #tpu.memory_space<vmem>>)
    %add3A_132 = arith.constant 0 : i32
    %add3A_133 = arith.addi %mul3A_2, %add3A_132 : i32
    %dma_start3A_134 = arith.constant 0 : i32
    %dma_start3A_135 = arith.constant 0 : i32
    %dma_start3A_136 = arith.constant 0 : i32
    %dma_start3A_137 = tpu.memref_slice %arg6[%dma_start3A_134, %dma_start3A_135, %dma_start3A_136] : memref<8x64x128xf32, #tpu.memory_space<vmem>> -> memref<1x64x128xf32, #tpu.memory_space<vmem>>
    %dma_start3A_138 = tpu.memref_squeeze %dma_start3A_137 : memref<1x64x128xf32, #tpu.memory_space<vmem>> -> memref<64x128xf32, #tpu.memory_space<vmem>>
    %dma_start3A_139 = arith.constant 0 : i32
    %dma_start3A_140 = tpu.memref_slice %arg4[%add3A_133, %dma_start3A_139] : memref<16384x128xf32, #tpu.memory_space<hbm>> -> memref<64x128xf32, #tpu.memory_space<hbm>>
    %dma_start3A_141 = arith.constant 0 : i32
    %dma_start3A_142 = tpu.memref_slice %arg4[%add3A_133, %dma_start3A_141] : memref<16384x128xf32, #tpu.memory_space<hbm>> -> memref<64x128xf32, #tpu.memory_space<hbm>>
    %dma_start3A_143 = arith.constant 0 : i32
    %dma_start3A_144 = arith.constant 0 : i32
    %dma_start3A_145 = tpu.memref_slice %arg6[%dma_start3A_134, %dma_start3A_143, %dma_start3A_144] : memref<8x64x128xf32, #tpu.memory_space<vmem>> -> memref<1x64x128xf32, #tpu.memory_space<vmem>>
    %dma_start3A_146 = tpu.memref_squeeze %dma_start3A_145 : memref<1x64x128xf32, #tpu.memory_space<vmem>> -> memref<64x128xf32, #tpu.memory_space<vmem>>
    tpu.enqueue_dma source(%dma_start3A_146 : memref<64x128xf32, #tpu.memory_space<vmem>>) target(%dma_start3A_142 : memref<64x128xf32, #tpu.memory_space<hbm>>) target_semaphore(%arg9 : memref<!tpu.dma_semaphore, #tpu.memory_space<semaphore_mem>>)
    %dma_wait3A_147 = arith.constant 1 : i32
    %dma_wait3A_148 = arith.constant 0 : i32
    %dma_wait3A_149 = arith.constant 0 : i32
    %dma_wait3A_150 = tpu.memref_slice %arg6[%dma_wait3A_147, %dma_wait3A_148, %dma_wait3A_149] : memref<8x64x128xf32, #tpu.memory_space<vmem>> -> memref<1x64x128xf32, #tpu.memory_space<vmem>>
    %dma_wait3A_151 = tpu.memref_squeeze %dma_wait3A_150 : memref<1x64x128xf32, #tpu.memory_space<vmem>> -> memref<64x128xf32, #tpu.memory_space<vmem>>
    %dma_wait3A_152 = arith.constant 64 : i32
    %dma_wait3A_153 = tpu.memref_slice %arg5[%dma_wait3A_152] : memref<512xi32, #tpu.memory_space<vmem>> -> memref<64xi32, #tpu.memory_space<vmem>>
    %dma_wait3A_154 = arith.constant 0 : i32
    %dma_wait3A_155 = arith.constant 0 : i32
    %dma_wait3A_156 = tpu.memref_slice %arg7[%dma_wait3A_154, %dma_wait3A_155] : memref<1000x128xf32, #tpu.memory_space<vmem_shared>> -> memref<1000x128xf32, #tpu.memory_space<vmem_shared>>
    tpu.wait_indirect_dma semaphore(%arg8 : memref<!tpu.dma_semaphore, #tpu.memory_space<semaphore_mem>>) src(%dma_wait3A_156 : memref<1000x128xf32, #tpu.memory_space<vmem_shared>>) dst(%dma_wait3A_151 : memref<64x128xf32, #tpu.memory_space<vmem>>)
    %add3A_157 = arith.constant 64 : i32
    %add3A_158 = arith.addi %mul3A_2, %add3A_157 : i32
    %dma_start3A_159 = arith.constant 1 : i32
    %dma_start3A_160 = arith.constant 0 : i32
    %dma_start3A_161 = arith.constant 0 : i32
    %dma_start3A_162 = tpu.memref_slice %arg6[%dma_start3A_159, %dma_start3A_160, %dma_start3A_161] : memref<8x64x128xf32, #tpu.memory_space<vmem>> -> memref<1x64x128xf32, #tpu.memory_space<vmem>>
    %dma_start3A_163 = tpu.memref_squeeze %dma_start3A_162 : memref<1x64x128xf32, #tpu.memory_space<vmem>> -> memref<64x128xf32, #tpu.memory_space<vmem>>
    %dma_start3A_164 = arith.constant 0 : i32
    %dma_start3A_165 = tpu.memref_slice %arg4[%add3A_158, %dma_start3A_164] : memref<16384x128xf32, #tpu.memory_space<hbm>> -> memref<64x128xf32, #tpu.memory_space<hbm>>
    %dma_start3A_166 = arith.constant 0 : i32
    %dma_start3A_167 = tpu.memref_slice %arg4[%add3A_158, %dma_start3A_166] : memref<16384x128xf32, #tpu.memory_space<hbm>> -> memref<64x128xf32, #tpu.memory_space<hbm>>
    %dma_start3A_168 = arith.constant 0 : i32
    %dma_start3A_169 = arith.constant 0 : i32
    %dma_start3A_170 = tpu.memref_slice %arg6[%dma_start3A_159, %dma_start3A_168, %dma_start3A_169] : memref<8x64x128xf32, #tpu.memory_space<vmem>> -> memref<1x64x128xf32, #tpu.memory_space<vmem>>
    %dma_start3A_171 = tpu.memref_squeeze %dma_start3A_170 : memref<1x64x128xf32, #tpu.memory_space<vmem>> -> memref<64x128xf32, #tpu.memory_space<vmem>>
    tpu.enqueue_dma source(%dma_start3A_171 : memref<64x128xf32, #tpu.memory_space<vmem>>) target(%dma_start3A_167 : memref<64x128xf32, #tpu.memory_space<hbm>>) target_semaphore(%arg9 : memref<!tpu.dma_semaphore, #tpu.memory_space<semaphore_mem>>)
    %dma_wait3A_172 = arith.constant 2 : i32
    %dma_wait3A_173 = arith.constant 0 : i32
    %dma_wait3A_174 = arith.constant 0 : i32
    %dma_wait3A_175 = tpu.memref_slice %arg6[%dma_wait3A_172, %dma_wait3A_173, %dma_wait3A_174] : memref<8x64x128xf32, #tpu.memory_space<vmem>> -> memref<1x64x128xf32, #tpu.memory_space<vmem>>
    %dma_wait3A_176 = tpu.memref_squeeze %dma_wait3A_175 : memref<1x64x128xf32, #tpu.memory_space<vmem>> -> memref<64x128xf32, #tpu.memory_space<vmem>>
    %dma_wait3A_177 = arith.constant 128 : i32
    %dma_wait3A_178 = tpu.memref_slice %arg5[%dma_wait3A_177] : memref<512xi32, #tpu.memory_space<vmem>> -> memref<64xi32, #tpu.memory_space<vmem>>
    %dma_wait3A_179 = arith.constant 0 : i32
    %dma_wait3A_180 = arith.constant 0 : i32
    %dma_wait3A_181 = tpu.memref_slice %arg7[%dma_wait3A_179, %dma_wait3A_180] : memref<1000x128xf32, #tpu.memory_space<vmem_shared>> -> memref<1000x128xf32, #tpu.memory_space<vmem_shared>>
    tpu.wait_indirect_dma semaphore(%arg8 : memref<!tpu.dma_semaphore, #tpu.memory_space<semaphore_mem>>) src(%dma_wait3A_181 : memref<1000x128xf32, #tpu.memory_space<vmem_shared>>) dst(%dma_wait3A_176 : memref<64x128xf32, #tpu.memory_space<vmem>>)
    %add3A_182 = arith.constant 128 : i32
    %add3A_183 = arith.addi %mul3A_2, %add3A_182 : i32
    %dma_start3A_184 = arith.constant 2 : i32
    %dma_start3A_185 = arith.constant 0 : i32
    %dma_start3A_186 = arith.constant 0 : i32
    %dma_start3A_187 = tpu.memref_slice %arg6[%dma_start3A_184, %dma_start3A_185, %dma_start3A_186] : memref<8x64x128xf32, #tpu.memory_space<vmem>> -> memref<1x64x128xf32, #tpu.memory_space<vmem>>
    %dma_start3A_188 = tpu.memref_squeeze %dma_start3A_187 : memref<1x64x128xf32, #tpu.memory_space<vmem>> -> memref<64x128xf32, #tpu.memory_space<vmem>>
    %dma_start3A_189 = arith.constant 0 : i32
    %dma_start3A_190 = tpu.memref_slice %arg4[%add3A_183, %dma_start3A_189] : memref<16384x128xf32, #tpu.memory_space<hbm>> -> memref<64x128xf32, #tpu.memory_space<hbm>>
    %dma_start3A_191 = arith.constant 0 : i32
    %dma_start3A_192 = tpu.memref_slice %arg4[%add3A_183, %dma_start3A_191] : memref<16384x128xf32, #tpu.memory_space<hbm>> -> memref<64x128xf32, #tpu.memory_space<hbm>>
    %dma_start3A_193 = arith.constant 0 : i32
    %dma_start3A_194 = arith.constant 0 : i32
    %dma_start3A_195 = tpu.memref_slice %arg6[%dma_start3A_184, %dma_start3A_193, %dma_start3A_194] : memref<8x64x128xf32, #tpu.memory_space<vmem>> -> memref<1x64x128xf32, #tpu.memory_space<vmem>>
    %dma_start3A_196 = tpu.memref_squeeze %dma_start3A_195 : memref<1x64x128xf32, #tpu.memory_space<vmem>> -> memref<64x128xf32, #tpu.memory_space<vmem>>
    tpu.enqueue_dma source(%dma_start3A_196 : memref<64x128xf32, #tpu.memory_space<vmem>>) target(%dma_start3A_192 : memref<64x128xf32, #tpu.memory_space<hbm>>) target_semaphore(%arg9 : memref<!tpu.dma_semaphore, #tpu.memory_space<semaphore_mem>>)
    %dma_wait3A_197 = arith.constant 3 : i32
    %dma_wait3A_198 = arith.constant 0 : i32
    %dma_wait3A_199 = arith.constant 0 : i32
    %dma_wait3A_200 = tpu.memref_slice %arg6[%dma_wait3A_197, %dma_wait3A_198, %dma_wait3A_199] : memref<8x64x128xf32, #tpu.memory_space<vmem>> -> memref<1x64x128xf32, #tpu.memory_space<vmem>>
    %dma_wait3A_201 = tpu.memref_squeeze %dma_wait3A_200 : memref<1x64x128xf32, #tpu.memory_space<vmem>> -> memref<64x128xf32, #tpu.memory_space<vmem>>
    %dma_wait3A_202 = arith.constant 192 : i32
    %dma_wait3A_203 = tpu.memref_slice %arg5[%dma_wait3A_202] : memref<512xi32, #tpu.memory_space<vmem>> -> memref<64xi32, #tpu.memory_space<vmem>>
    %dma_wait3A_204 = arith.constant 0 : i32
    %dma_wait3A_205 = arith.constant 0 : i32
    %dma_wait3A_206 = tpu.memref_slice %arg7[%dma_wait3A_204, %dma_wait3A_205] : memref<1000x128xf32, #tpu.memory_space<vmem_shared>> -> memref<1000x128xf32, #tpu.memory_space<vmem_shared>>
    tpu.wait_indirect_dma semaphore(%arg8 : memref<!tpu.dma_semaphore, #tpu.memory_space<semaphore_mem>>) src(%dma_wait3A_206 : memref<1000x128xf32, #tpu.memory_space<vmem_shared>>) dst(%dma_wait3A_201 : memref<64x128xf32, #tpu.memory_space<vmem>>)
    %add3A_207 = arith.constant 192 : i32
    %add3A_208 = arith.addi %mul3A_2, %add3A_207 : i32
    %dma_start3A_209 = arith.constant 3 : i32
    %dma_start3A_210 = arith.constant 0 : i32
    %dma_start3A_211 = arith.constant 0 : i32
    %dma_start3A_212 = tpu.memref_slice %arg6[%dma_start3A_209, %dma_start3A_210, %dma_start3A_211] : memref<8x64x128xf32, #tpu.memory_space<vmem>> -> memref<1x64x128xf32, #tpu.memory_space<vmem>>
    %dma_start3A_213 = tpu.memref_squeeze %dma_start3A_212 : memref<1x64x128xf32, #tpu.memory_space<vmem>> -> memref<64x128xf32, #tpu.memory_space<vmem>>
    %dma_start3A_214 = arith.constant 0 : i32
    %dma_start3A_215 = tpu.memref_slice %arg4[%add3A_208, %dma_start3A_214] : memref<16384x128xf32, #tpu.memory_space<hbm>> -> memref<64x128xf32, #tpu.memory_space<hbm>>
    %dma_start3A_216 = arith.constant 0 : i32
    %dma_start3A_217 = tpu.memref_slice %arg4[%add3A_208, %dma_start3A_216] : memref<16384x128xf32, #tpu.memory_space<hbm>> -> memref<64x128xf32, #tpu.memory_space<hbm>>
    %dma_start3A_218 = arith.constant 0 : i32
    %dma_start3A_219 = arith.constant 0 : i32
    %dma_start3A_220 = tpu.memref_slice %arg6[%dma_start3A_209, %dma_start3A_218, %dma_start3A_219] : memref<8x64x128xf32, #tpu.memory_space<vmem>> -> memref<1x64x128xf32, #tpu.memory_space<vmem>>
    %dma_start3A_221 = tpu.memref_squeeze %dma_start3A_220 : memref<1x64x128xf32, #tpu.memory_space<vmem>> -> memref<64x128xf32, #tpu.memory_space<vmem>>
    tpu.enqueue_dma source(%dma_start3A_221 : memref<64x128xf32, #tpu.memory_space<vmem>>) target(%dma_start3A_217 : memref<64x128xf32, #tpu.memory_space<hbm>>) target_semaphore(%arg9 : memref<!tpu.dma_semaphore, #tpu.memory_space<semaphore_mem>>)
    %dma_wait3A_222 = arith.constant 4 : i32
    %dma_wait3A_223 = arith.constant 0 : i32
    %dma_wait3A_224 = arith.constant 0 : i32
    %dma_wait3A_225 = tpu.memref_slice %arg6[%dma_wait3A_222, %dma_wait3A_223, %dma_wait3A_224] : memref<8x64x128xf32, #tpu.memory_space<vmem>> -> memref<1x64x128xf32, #tpu.memory_space<vmem>>
    %dma_wait3A_226 = tpu.memref_squeeze %dma_wait3A_225 : memref<1x64x128xf32, #tpu.memory_space<vmem>> -> memref<64x128xf32, #tpu.memory_space<vmem>>
    %dma_wait3A_227 = arith.constant 256 : i32
    %dma_wait3A_228 = tpu.memref_slice %arg5[%dma_wait3A_227] : memref<512xi32, #tpu.memory_space<vmem>> -> memref<64xi32, #tpu.memory_space<vmem>>
    %dma_wait3A_229 = arith.constant 0 : i32
    %dma_wait3A_230 = arith.constant 0 : i32
    %dma_wait3A_231 = tpu.memref_slice %arg7[%dma_wait3A_229, %dma_wait3A_230] : memref<1000x128xf32, #tpu.memory_space<vmem_shared>> -> memref<1000x128xf32, #tpu.memory_space<vmem_shared>>
    tpu.wait_indirect_dma semaphore(%arg8 : memref<!tpu.dma_semaphore, #tpu.memory_space<semaphore_mem>>) src(%dma_wait3A_231 : memref<1000x128xf32, #tpu.memory_space<vmem_shared>>) dst(%dma_wait3A_226 : memref<64x128xf32, #tpu.memory_space<vmem>>)
    %add3A_232 = arith.constant 256 : i32
    %add3A_233 = arith.addi %mul3A_2, %add3A_232 : i32
    %dma_start3A_234 = arith.constant 4 : i32
    %dma_start3A_235 = arith.constant 0 : i32
    %dma_start3A_236 = arith.constant 0 : i32
    %dma_start3A_237 = tpu.memref_slice %arg6[%dma_start3A_234, %dma_start3A_235, %dma_start3A_236] : memref<8x64x128xf32, #tpu.memory_space<vmem>> -> memref<1x64x128xf32, #tpu.memory_space<vmem>>
    %dma_start3A_238 = tpu.memref_squeeze %dma_start3A_237 : memref<1x64x128xf32, #tpu.memory_space<vmem>> -> memref<64x128xf32, #tpu.memory_space<vmem>>
    %dma_start3A_239 = arith.constant 0 : i32
    %dma_start3A_240 = tpu.memref_slice %arg4[%add3A_233, %dma_start3A_239] : memref<16384x128xf32, #tpu.memory_space<hbm>> -> memref<64x128xf32, #tpu.memory_space<hbm>>
    %dma_start3A_241 = arith.constant 0 : i32
    %dma_start3A_242 = tpu.memref_slice %arg4[%add3A_233, %dma_start3A_241] : memref<16384x128xf32, #tpu.memory_space<hbm>> -> memref<64x128xf32, #tpu.memory_space<hbm>>
    %dma_start3A_243 = arith.constant 0 : i32
    %dma_start3A_244 = arith.constant 0 : i32
    %dma_start3A_245 = tpu.memref_slice %arg6[%dma_start3A_234, %dma_start3A_243, %dma_start3A_244] : memref<8x64x128xf32, #tpu.memory_space<vmem>> -> memref<1x64x128xf32, #tpu.memory_space<vmem>>
    %dma_start3A_246 = tpu.memref_squeeze %dma_start3A_245 : memref<1x64x128xf32, #tpu.memory_space<vmem>> -> memref<64x128xf32, #tpu.memory_space<vmem>>
    tpu.enqueue_dma source(%dma_start3A_246 : memref<64x128xf32, #tpu.memory_space<vmem>>) target(%dma_start3A_242 : memref<64x128xf32, #tpu.memory_space<hbm>>) target_semaphore(%arg9 : memref<!tpu.dma_semaphore, #tpu.memory_space<semaphore_mem>>)
    %dma_wait3A_247 = arith.constant 5 : i32
    %dma_wait3A_248 = arith.constant 0 : i32
    %dma_wait3A_249 = arith.constant 0 : i32
    %dma_wait3A_250 = tpu.memref_slice %arg6[%dma_wait3A_247, %dma_wait3A_248, %dma_wait3A_249] : memref<8x64x128xf32, #tpu.memory_space<vmem>> -> memref<1x64x128xf32, #tpu.memory_space<vmem>>
    %dma_wait3A_251 = tpu.memref_squeeze %dma_wait3A_250 : memref<1x64x128xf32, #tpu.memory_space<vmem>> -> memref<64x128xf32, #tpu.memory_space<vmem>>
    %dma_wait3A_252 = arith.constant 320 : i32
    %dma_wait3A_253 = tpu.memref_slice %arg5[%dma_wait3A_252] : memref<512xi32, #tpu.memory_space<vmem>> -> memref<64xi32, #tpu.memory_space<vmem>>
    %dma_wait3A_254 = arith.constant 0 : i32
    %dma_wait3A_255 = arith.constant 0 : i32
    %dma_wait3A_256 = tpu.memref_slice %arg7[%dma_wait3A_254, %dma_wait3A_255] : memref<1000x128xf32, #tpu.memory_space<vmem_shared>> -> memref<1000x128xf32, #tpu.memory_space<vmem_shared>>
    tpu.wait_indirect_dma semaphore(%arg8 : memref<!tpu.dma_semaphore, #tpu.memory_space<semaphore_mem>>) src(%dma_wait3A_256 : memref<1000x128xf32, #tpu.memory_space<vmem_shared>>) dst(%dma_wait3A_251 : memref<64x128xf32, #tpu.memory_space<vmem>>)
    %add3A_257 = arith.constant 320 : i32
    %add3A_258 = arith.addi %mul3A_2, %add3A_257 : i32
    %dma_start3A_259 = arith.constant 5 : i32
    %dma_start3A_260 = arith.constant 0 : i32
    %dma_start3A_261 = arith.constant 0 : i32
    %dma_start3A_262 = tpu.memref_slice %arg6[%dma_start3A_259, %dma_start3A_260, %dma_start3A_261] : memref<8x64x128xf32, #tpu.memory_space<vmem>> -> memref<1x64x128xf32, #tpu.memory_space<vmem>>
    %dma_start3A_263 = tpu.memref_squeeze %dma_start3A_262 : memref<1x64x128xf32, #tpu.memory_space<vmem>> -> memref<64x128xf32, #tpu.memory_space<vmem>>
    %dma_start3A_264 = arith.constant 0 : i32
    %dma_start3A_265 = tpu.memref_slice %arg4[%add3A_258, %dma_start3A_264] : memref<16384x128xf32, #tpu.memory_space<hbm>> -> memref<64x128xf32, #tpu.memory_space<hbm>>
    %dma_start3A_266 = arith.constant 0 : i32
    %dma_start3A_267 = tpu.memref_slice %arg4[%add3A_258, %dma_start3A_266] : memref<16384x128xf32, #tpu.memory_space<hbm>> -> memref<64x128xf32, #tpu.memory_space<hbm>>
    %dma_start3A_268 = arith.constant 0 : i32
    %dma_start3A_269 = arith.constant 0 : i32
    %dma_start3A_270 = tpu.memref_slice %arg6[%dma_start3A_259, %dma_start3A_268, %dma_start3A_269] : memref<8x64x128xf32, #tpu.memory_space<vmem>> -> memref<1x64x128xf32, #tpu.memory_space<vmem>>
    %dma_start3A_271 = tpu.memref_squeeze %dma_start3A_270 : memref<1x64x128xf32, #tpu.memory_space<vmem>> -> memref<64x128xf32, #tpu.memory_space<vmem>>
    tpu.enqueue_dma source(%dma_start3A_271 : memref<64x128xf32, #tpu.memory_space<vmem>>) target(%dma_start3A_267 : memref<64x128xf32, #tpu.memory_space<hbm>>) target_semaphore(%arg9 : memref<!tpu.dma_semaphore, #tpu.memory_space<semaphore_mem>>)
    %dma_wait3A_272 = arith.constant 6 : i32
    %dma_wait3A_273 = arith.constant 0 : i32
    %dma_wait3A_274 = arith.constant 0 : i32
    %dma_wait3A_275 = tpu.memref_slice %arg6[%dma_wait3A_272, %dma_wait3A_273, %dma_wait3A_274] : memref<8x64x128xf32, #tpu.memory_space<vmem>> -> memref<1x64x128xf32, #tpu.memory_space<vmem>>
    %dma_wait3A_276 = tpu.memref_squeeze %dma_wait3A_275 : memref<1x64x128xf32, #tpu.memory_space<vmem>> -> memref<64x128xf32, #tpu.memory_space<vmem>>
    %dma_wait3A_277 = arith.constant 384 : i32
    %dma_wait3A_278 = tpu.memref_slice %arg5[%dma_wait3A_277] : memref<512xi32, #tpu.memory_space<vmem>> -> memref<64xi32, #tpu.memory_space<vmem>>
    %dma_wait3A_279 = arith.constant 0 : i32
    %dma_wait3A_280 = arith.constant 0 : i32
    %dma_wait3A_281 = tpu.memref_slice %arg7[%dma_wait3A_279, %dma_wait3A_280] : memref<1000x128xf32, #tpu.memory_space<vmem_shared>> -> memref<1000x128xf32, #tpu.memory_space<vmem_shared>>
    tpu.wait_indirect_dma semaphore(%arg8 : memref<!tpu.dma_semaphore, #tpu.memory_space<semaphore_mem>>) src(%dma_wait3A_281 : memref<1000x128xf32, #tpu.memory_space<vmem_shared>>) dst(%dma_wait3A_276 : memref<64x128xf32, #tpu.memory_space<vmem>>)
    %add3A_282 = arith.constant 384 : i32
    %add3A_283 = arith.addi %mul3A_2, %add3A_282 : i32
    %dma_start3A_284 = arith.constant 6 : i32
    %dma_start3A_285 = arith.constant 0 : i32
    %dma_start3A_286 = arith.constant 0 : i32
    %dma_start3A_287 = tpu.memref_slice %arg6[%dma_start3A_284, %dma_start3A_285, %dma_start3A_286] : memref<8x64x128xf32, #tpu.memory_space<vmem>> -> memref<1x64x128xf32, #tpu.memory_space<vmem>>
    %dma_start3A_288 = tpu.memref_squeeze %dma_start3A_287 : memref<1x64x128xf32, #tpu.memory_space<vmem>> -> memref<64x128xf32, #tpu.memory_space<vmem>>
    %dma_start3A_289 = arith.constant 0 : i32
    %dma_start3A_290 = tpu.memref_slice %arg4[%add3A_283, %dma_start3A_289] : memref<16384x128xf32, #tpu.memory_space<hbm>> -> memref<64x128xf32, #tpu.memory_space<hbm>>
    %dma_start3A_291 = arith.constant 0 : i32
    %dma_start3A_292 = tpu.memref_slice %arg4[%add3A_283, %dma_start3A_291] : memref<16384x128xf32, #tpu.memory_space<hbm>> -> memref<64x128xf32, #tpu.memory_space<hbm>>
    %dma_start3A_293 = arith.constant 0 : i32
    %dma_start3A_294 = arith.constant 0 : i32
    %dma_start3A_295 = tpu.memref_slice %arg6[%dma_start3A_284, %dma_start3A_293, %dma_start3A_294] : memref<8x64x128xf32, #tpu.memory_space<vmem>> -> memref<1x64x128xf32, #tpu.memory_space<vmem>>
    %dma_start3A_296 = tpu.memref_squeeze %dma_start3A_295 : memref<1x64x128xf32, #tpu.memory_space<vmem>> -> memref<64x128xf32, #tpu.memory_space<vmem>>
    tpu.enqueue_dma source(%dma_start3A_296 : memref<64x128xf32, #tpu.memory_space<vmem>>) target(%dma_start3A_292 : memref<64x128xf32, #tpu.memory_space<hbm>>) target_semaphore(%arg9 : memref<!tpu.dma_semaphore, #tpu.memory_space<semaphore_mem>>)
    %dma_wait3A_297 = arith.constant 7 : i32
    %dma_wait3A_298 = arith.constant 0 : i32
    %dma_wait3A_299 = arith.constant 0 : i32
    %dma_wait3A_300 = tpu.memref_slice %arg6[%dma_wait3A_297, %dma_wait3A_298, %dma_wait3A_299] : memref<8x64x128xf32, #tpu.memory_space<vmem>> -> memref<1x64x128xf32, #tpu.memory_space<vmem>>
    %dma_wait3A_301 = tpu.memref_squeeze %dma_wait3A_300 : memref<1x64x128xf32, #tpu.memory_space<vmem>> -> memref<64x128xf32, #tpu.memory_space<vmem>>
    %dma_wait3A_302 = arith.constant 448 : i32
    %dma_wait3A_303 = tpu.memref_slice %arg5[%dma_wait3A_302] : memref<512xi32, #tpu.memory_space<vmem>> -> memref<64xi32, #tpu.memory_space<vmem>>
    %dma_wait3A_304 = arith.constant 0 : i32
    %dma_wait3A_305 = arith.constant 0 : i32
    %dma_wait3A_306 = tpu.memref_slice %arg7[%dma_wait3A_304, %dma_wait3A_305] : memref<1000x128xf32, #tpu.memory_space<vmem_shared>> -> memref<1000x128xf32, #tpu.memory_space<vmem_shared>>
    tpu.wait_indirect_dma semaphore(%arg8 : memref<!tpu.dma_semaphore, #tpu.memory_space<semaphore_mem>>) src(%dma_wait3A_306 : memref<1000x128xf32, #tpu.memory_space<vmem_shared>>) dst(%dma_wait3A_301 : memref<64x128xf32, #tpu.memory_space<vmem>>)
    %add3A_307 = arith.constant 448 : i32
    %add3A_308 = arith.addi %mul3A_2, %add3A_307 : i32
    %dma_start3A_309 = arith.constant 7 : i32
    %dma_start3A_310 = arith.constant 0 : i32
    %dma_start3A_311 = arith.constant 0 : i32
    %dma_start3A_312 = tpu.memref_slice %arg6[%dma_start3A_309, %dma_start3A_310, %dma_start3A_311] : memref<8x64x128xf32, #tpu.memory_space<vmem>> -> memref<1x64x128xf32, #tpu.memory_space<vmem>>
    %dma_start3A_313 = tpu.memref_squeeze %dma_start3A_312 : memref<1x64x128xf32, #tpu.memory_space<vmem>> -> memref<64x128xf32, #tpu.memory_space<vmem>>
    %dma_start3A_314 = arith.constant 0 : i32
    %dma_start3A_315 = tpu.memref_slice %arg4[%add3A_308, %dma_start3A_314] : memref<16384x128xf32, #tpu.memory_space<hbm>> -> memref<64x128xf32, #tpu.memory_space<hbm>>
    %dma_start3A_316 = arith.constant 0 : i32
    %dma_start3A_317 = tpu.memref_slice %arg4[%add3A_308, %dma_start3A_316] : memref<16384x128xf32, #tpu.memory_space<hbm>> -> memref<64x128xf32, #tpu.memory_space<hbm>>
    %dma_start3A_318 = arith.constant 0 : i32
    %dma_start3A_319 = arith.constant 0 : i32
    %dma_start3A_320 = tpu.memref_slice %arg6[%dma_start3A_309, %dma_start3A_318, %dma_start3A_319] : memref<8x64x128xf32, #tpu.memory_space<vmem>> -> memref<1x64x128xf32, #tpu.memory_space<vmem>>
    %dma_start3A_321 = tpu.memref_squeeze %dma_start3A_320 : memref<1x64x128xf32, #tpu.memory_space<vmem>> -> memref<64x128xf32, #tpu.memory_space<vmem>>
    tpu.enqueue_dma source(%dma_start3A_321 : memref<64x128xf32, #tpu.memory_space<vmem>>) target(%dma_start3A_317 : memref<64x128xf32, #tpu.memory_space<hbm>>) target_semaphore(%arg9 : memref<!tpu.dma_semaphore, #tpu.memory_space<semaphore_mem>>)
    %dma_wait3A_322 = arith.constant 0 : i32
    %dma_wait3A_323 = arith.constant 0 : i32
    %dma_wait3A_324 = arith.constant 0 : i32
    %dma_wait3A_325 = tpu.memref_slice %arg6[%dma_wait3A_322, %dma_wait3A_323, %dma_wait3A_324] : memref<8x64x128xf32, #tpu.memory_space<vmem>> -> memref<1x64x128xf32, #tpu.memory_space<vmem>>
    %dma_wait3A_326 = tpu.memref_squeeze %dma_wait3A_325 : memref<1x64x128xf32, #tpu.memory_space<vmem>> -> memref<64x128xf32, #tpu.memory_space<vmem>>
    %dma_wait3A_327 = arith.constant 0 : i32
    %dma_wait3A_328 = tpu.memref_slice %arg4[%add3A_133, %dma_wait3A_327] : memref<16384x128xf32, #tpu.memory_space<hbm>> -> memref<64x128xf32, #tpu.memory_space<hbm>>
    %dma_wait3A_329 = arith.constant 0 : i32
    %dma_wait3A_330 = tpu.memref_slice %arg4[%add3A_133, %dma_wait3A_329] : memref<16384x128xf32, #tpu.memory_space<hbm>> -> memref<64x128xf32, #tpu.memory_space<hbm>>
    %dma_wait3A_331 = arith.constant 0 : i32
    %dma_wait3A_332 = arith.constant 0 : i32
    %dma_wait3A_333 = tpu.memref_slice %arg6[%dma_wait3A_322, %dma_wait3A_331, %dma_wait3A_332] : memref<8x64x128xf32, #tpu.memory_space<vmem>> -> memref<1x64x128xf32, #tpu.memory_space<vmem>>
    %dma_wait3A_334 = tpu.memref_squeeze %dma_wait3A_333 : memref<1x64x128xf32, #tpu.memory_space<vmem>> -> memref<64x128xf32, #tpu.memory_space<vmem>>
    tpu.wait_dma2 semaphore(%arg9 : memref<!tpu.dma_semaphore, #tpu.memory_space<semaphore_mem>>) src(%dma_wait3A_334 : memref<64x128xf32, #tpu.memory_space<vmem>>) dst(%dma_wait3A_330 : memref<64x128xf32, #tpu.memory_space<hbm>>)
    %dma_wait3A_335 = arith.constant 1 : i32
    %dma_wait3A_336 = arith.constant 0 : i32
    %dma_wait3A_337 = arith.constant 0 : i32
    %dma_wait3A_338 = tpu.memref_slice %arg6[%dma_wait3A_335, %dma_wait3A_336, %dma_wait3A_337] : memref<8x64x128xf32, #tpu.memory_space<vmem>> -> memref<1x64x128xf32, #tpu.memory_space<vmem>>
    %dma_wait3A_339 = tpu.memref_squeeze %dma_wait3A_338 : memref<1x64x128xf32, #tpu.memory_space<vmem>> -> memref<64x128xf32, #tpu.memory_space<vmem>>
    %dma_wait3A_340 = arith.constant 0 : i32
    %dma_wait3A_341 = tpu.memref_slice %arg4[%add3A_158, %dma_wait3A_340] : memref<16384x128xf32, #tpu.memory_space<hbm>> -> memref<64x128xf32, #tpu.memory_space<hbm>>
    %dma_wait3A_342 = arith.constant 0 : i32
    %dma_wait3A_343 = tpu.memref_slice %arg4[%add3A_158, %dma_wait3A_342] : memref<16384x128xf32, #tpu.memory_space<hbm>> -> memref<64x128xf32, #tpu.memory_space<hbm>>
    %dma_wait3A_344 = arith.constant 0 : i32
    %dma_wait3A_345 = arith.constant 0 : i32
    %dma_wait3A_346 = tpu.memref_slice %arg6[%dma_wait3A_335, %dma_wait3A_344, %dma_wait3A_345] : memref<8x64x128xf32, #tpu.memory_space<vmem>> -> memref<1x64x128xf32, #tpu.memory_space<vmem>>
    %dma_wait3A_347 = tpu.memref_squeeze %dma_wait3A_346 : memref<1x64x128xf32, #tpu.memory_space<vmem>> -> memref<64x128xf32, #tpu.memory_space<vmem>>
    tpu.wait_dma2 semaphore(%arg9 : memref<!tpu.dma_semaphore, #tpu.memory_space<semaphore_mem>>) src(%dma_wait3A_347 : memref<64x128xf32, #tpu.memory_space<vmem>>) dst(%dma_wait3A_343 : memref<64x128xf32, #tpu.memory_space<hbm>>)
    %dma_wait3A_348 = arith.constant 2 : i32
    %dma_wait3A_349 = arith.constant 0 : i32
    %dma_wait3A_350 = arith.constant 0 : i32
    %dma_wait3A_351 = tpu.memref_slice %arg6[%dma_wait3A_348, %dma_wait3A_349, %dma_wait3A_350] : memref<8x64x128xf32, #tpu.memory_space<vmem>> -> memref<1x64x128xf32, #tpu.memory_space<vmem>>
    %dma_wait3A_352 = tpu.memref_squeeze %dma_wait3A_351 : memref<1x64x128xf32, #tpu.memory_space<vmem>> -> memref<64x128xf32, #tpu.memory_space<vmem>>
    %dma_wait3A_353 = arith.constant 0 : i32
    %dma_wait3A_354 = tpu.memref_slice %arg4[%add3A_183, %dma_wait3A_353] : memref<16384x128xf32, #tpu.memory_space<hbm>> -> memref<64x128xf32, #tpu.memory_space<hbm>>
    %dma_wait3A_355 = arith.constant 0 : i32
    %dma_wait3A_356 = tpu.memref_slice %arg4[%add3A_183, %dma_wait3A_355] : memref<16384x128xf32, #tpu.memory_space<hbm>> -> memref<64x128xf32, #tpu.memory_space<hbm>>
    %dma_wait3A_357 = arith.constant 0 : i32
    %dma_wait3A_358 = arith.constant 0 : i32
    %dma_wait3A_359 = tpu.memref_slice %arg6[%dma_wait3A_348, %dma_wait3A_357, %dma_wait3A_358] : memref<8x64x128xf32, #tpu.memory_space<vmem>> -> memref<1x64x128xf32, #tpu.memory_space<vmem>>
    %dma_wait3A_360 = tpu.memref_squeeze %dma_wait3A_359 : memref<1x64x128xf32, #tpu.memory_space<vmem>> -> memref<64x128xf32, #tpu.memory_space<vmem>>
    tpu.wait_dma2 semaphore(%arg9 : memref<!tpu.dma_semaphore, #tpu.memory_space<semaphore_mem>>) src(%dma_wait3A_360 : memref<64x128xf32, #tpu.memory_space<vmem>>) dst(%dma_wait3A_356 : memref<64x128xf32, #tpu.memory_space<hbm>>)
    %dma_wait3A_361 = arith.constant 3 : i32
    %dma_wait3A_362 = arith.constant 0 : i32
    %dma_wait3A_363 = arith.constant 0 : i32
    %dma_wait3A_364 = tpu.memref_slice %arg6[%dma_wait3A_361, %dma_wait3A_362, %dma_wait3A_363] : memref<8x64x128xf32, #tpu.memory_space<vmem>> -> memref<1x64x128xf32, #tpu.memory_space<vmem>>
    %dma_wait3A_365 = tpu.memref_squeeze %dma_wait3A_364 : memref<1x64x128xf32, #tpu.memory_space<vmem>> -> memref<64x128xf32, #tpu.memory_space<vmem>>
    %dma_wait3A_366 = arith.constant 0 : i32
    %dma_wait3A_367 = tpu.memref_slice %arg4[%add3A_208, %dma_wait3A_366] : memref<16384x128xf32, #tpu.memory_space<hbm>> -> memref<64x128xf32, #tpu.memory_space<hbm>>
    %dma_wait3A_368 = arith.constant 0 : i32
    %dma_wait3A_369 = tpu.memref_slice %arg4[%add3A_208, %dma_wait3A_368] : memref<16384x128xf32, #tpu.memory_space<hbm>> -> memref<64x128xf32, #tpu.memory_space<hbm>>
    %dma_wait3A_370 = arith.constant 0 : i32
    %dma_wait3A_371 = arith.constant 0 : i32
    %dma_wait3A_372 = tpu.memref_slice %arg6[%dma_wait3A_361, %dma_wait3A_370, %dma_wait3A_371] : memref<8x64x128xf32, #tpu.memory_space<vmem>> -> memref<1x64x128xf32, #tpu.memory_space<vmem>>
    %dma_wait3A_373 = tpu.memref_squeeze %dma_wait3A_372 : memref<1x64x128xf32, #tpu.memory_space<vmem>> -> memref<64x128xf32, #tpu.memory_space<vmem>>
    tpu.wait_dma2 semaphore(%arg9 : memref<!tpu.dma_semaphore, #tpu.memory_space<semaphore_mem>>) src(%dma_wait3A_373 : memref<64x128xf32, #tpu.memory_space<vmem>>) dst(%dma_wait3A_369 : memref<64x128xf32, #tpu.memory_space<hbm>>)
    %dma_wait3A_374 = arith.constant 4 : i32
    %dma_wait3A_375 = arith.constant 0 : i32
    %dma_wait3A_376 = arith.constant 0 : i32
    %dma_wait3A_377 = tpu.memref_slice %arg6[%dma_wait3A_374, %dma_wait3A_375, %dma_wait3A_376] : memref<8x64x128xf32, #tpu.memory_space<vmem>> -> memref<1x64x128xf32, #tpu.memory_space<vmem>>
    %dma_wait3A_378 = tpu.memref_squeeze %dma_wait3A_377 : memref<1x64x128xf32, #tpu.memory_space<vmem>> -> memref<64x128xf32, #tpu.memory_space<vmem>>
    %dma_wait3A_379 = arith.constant 0 : i32
    %dma_wait3A_380 = tpu.memref_slice %arg4[%add3A_233, %dma_wait3A_379] : memref<16384x128xf32, #tpu.memory_space<hbm>> -> memref<64x128xf32, #tpu.memory_space<hbm>>
    %dma_wait3A_381 = arith.constant 0 : i32
    %dma_wait3A_382 = tpu.memref_slice %arg4[%add3A_233, %dma_wait3A_381] : memref<16384x128xf32, #tpu.memory_space<hbm>> -> memref<64x128xf32, #tpu.memory_space<hbm>>
    %dma_wait3A_383 = arith.constant 0 : i32
    %dma_wait3A_384 = arith.constant 0 : i32
    %dma_wait3A_385 = tpu.memref_slice %arg6[%dma_wait3A_374, %dma_wait3A_383, %dma_wait3A_384] : memref<8x64x128xf32, #tpu.memory_space<vmem>> -> memref<1x64x128xf32, #tpu.memory_space<vmem>>
    %dma_wait3A_386 = tpu.memref_squeeze %dma_wait3A_385 : memref<1x64x128xf32, #tpu.memory_space<vmem>> -> memref<64x128xf32, #tpu.memory_space<vmem>>
    tpu.wait_dma2 semaphore(%arg9 : memref<!tpu.dma_semaphore, #tpu.memory_space<semaphore_mem>>) src(%dma_wait3A_386 : memref<64x128xf32, #tpu.memory_space<vmem>>) dst(%dma_wait3A_382 : memref<64x128xf32, #tpu.memory_space<hbm>>)
    %dma_wait3A_387 = arith.constant 5 : i32
    %dma_wait3A_388 = arith.constant 0 : i32
    %dma_wait3A_389 = arith.constant 0 : i32
    %dma_wait3A_390 = tpu.memref_slice %arg6[%dma_wait3A_387, %dma_wait3A_388, %dma_wait3A_389] : memref<8x64x128xf32, #tpu.memory_space<vmem>> -> memref<1x64x128xf32, #tpu.memory_space<vmem>>
    %dma_wait3A_391 = tpu.memref_squeeze %dma_wait3A_390 : memref<1x64x128xf32, #tpu.memory_space<vmem>> -> memref<64x128xf32, #tpu.memory_space<vmem>>
    %dma_wait3A_392 = arith.constant 0 : i32
    %dma_wait3A_393 = tpu.memref_slice %arg4[%add3A_258, %dma_wait3A_392] : memref<16384x128xf32, #tpu.memory_space<hbm>> -> memref<64x128xf32, #tpu.memory_space<hbm>>
    %dma_wait3A_394 = arith.constant 0 : i32
    %dma_wait3A_395 = tpu.memref_slice %arg4[%add3A_258, %dma_wait3A_394] : memref<16384x128xf32, #tpu.memory_space<hbm>> -> memref<64x128xf32, #tpu.memory_space<hbm>>
    %dma_wait3A_396 = arith.constant 0 : i32
    %dma_wait3A_397 = arith.constant 0 : i32
    %dma_wait3A_398 = tpu.memref_slice %arg6[%dma_wait3A_387, %dma_wait3A_396, %dma_wait3A_397] : memref<8x64x128xf32, #tpu.memory_space<vmem>> -> memref<1x64x128xf32, #tpu.memory_space<vmem>>
    %dma_wait3A_399 = tpu.memref_squeeze %dma_wait3A_398 : memref<1x64x128xf32, #tpu.memory_space<vmem>> -> memref<64x128xf32, #tpu.memory_space<vmem>>
    tpu.wait_dma2 semaphore(%arg9 : memref<!tpu.dma_semaphore, #tpu.memory_space<semaphore_mem>>) src(%dma_wait3A_399 : memref<64x128xf32, #tpu.memory_space<vmem>>) dst(%dma_wait3A_395 : memref<64x128xf32, #tpu.memory_space<hbm>>)
    %dma_wait3A_400 = arith.constant 6 : i32
    %dma_wait3A_401 = arith.constant 0 : i32
    %dma_wait3A_402 = arith.constant 0 : i32
    %dma_wait3A_403 = tpu.memref_slice %arg6[%dma_wait3A_400, %dma_wait3A_401, %dma_wait3A_402] : memref<8x64x128xf32, #tpu.memory_space<vmem>> -> memref<1x64x128xf32, #tpu.memory_space<vmem>>
    %dma_wait3A_404 = tpu.memref_squeeze %dma_wait3A_403 : memref<1x64x128xf32, #tpu.memory_space<vmem>> -> memref<64x128xf32, #tpu.memory_space<vmem>>
    %dma_wait3A_405 = arith.constant 0 : i32
    %dma_wait3A_406 = tpu.memref_slice %arg4[%add3A_283, %dma_wait3A_405] : memref<16384x128xf32, #tpu.memory_space<hbm>> -> memref<64x128xf32, #tpu.memory_space<hbm>>
    %dma_wait3A_407 = arith.constant 0 : i32
    %dma_wait3A_408 = tpu.memref_slice %arg4[%add3A_283, %dma_wait3A_407] : memref<16384x128xf32, #tpu.memory_space<hbm>> -> memref<64x128xf32, #tpu.memory_space<hbm>>
    %dma_wait3A_409 = arith.constant 0 : i32
    %dma_wait3A_410 = arith.constant 0 : i32
    %dma_wait3A_411 = tpu.memref_slice %arg6[%dma_wait3A_400, %dma_wait3A_409, %dma_wait3A_410] : memref<8x64x128xf32, #tpu.memory_space<vmem>> -> memref<1x64x128xf32, #tpu.memory_space<vmem>>
    %dma_wait3A_412 = tpu.memref_squeeze %dma_wait3A_411 : memref<1x64x128xf32, #tpu.memory_space<vmem>> -> memref<64x128xf32, #tpu.memory_space<vmem>>
    tpu.wait_dma2 semaphore(%arg9 : memref<!tpu.dma_semaphore, #tpu.memory_space<semaphore_mem>>) src(%dma_wait3A_412 : memref<64x128xf32, #tpu.memory_space<vmem>>) dst(%dma_wait3A_408 : memref<64x128xf32, #tpu.memory_space<hbm>>)
    %dma_wait3A_413 = arith.constant 7 : i32
    %dma_wait3A_414 = arith.constant 0 : i32
    %dma_wait3A_415 = arith.constant 0 : i32
    %dma_wait3A_416 = tpu.memref_slice %arg6[%dma_wait3A_413, %dma_wait3A_414, %dma_wait3A_415] : memref<8x64x128xf32, #tpu.memory_space<vmem>> -> memref<1x64x128xf32, #tpu.memory_space<vmem>>
    %dma_wait3A_417 = tpu.memref_squeeze %dma_wait3A_416 : memref<1x64x128xf32, #tpu.memory_space<vmem>> -> memref<64x128xf32, #tpu.memory_space<vmem>>
    %dma_wait3A_418 = arith.constant 0 : i32
    %dma_wait3A_419 = tpu.memref_slice %arg4[%add3A_308, %dma_wait3A_418] : memref<16384x128xf32, #tpu.memory_space<hbm>> -> memref<64x128xf32, #tpu.memory_space<hbm>>
    %dma_wait3A_420 = arith.constant 0 : i32
    %dma_wait3A_421 = tpu.memref_slice %arg4[%add3A_308, %dma_wait3A_420] : memref<16384x128xf32, #tpu.memory_space<hbm>> -> memref<64x128xf32, #tpu.memory_space<hbm>>
    %dma_wait3A_422 = arith.constant 0 : i32
    %dma_wait3A_423 = arith.constant 0 : i32
    %dma_wait3A_424 = tpu.memref_slice %arg6[%dma_wait3A_413, %dma_wait3A_422, %dma_wait3A_423] : memref<8x64x128xf32, #tpu.memory_space<vmem>> -> memref<1x64x128xf32, #tpu.memory_space<vmem>>
    %dma_wait3A_425 = tpu.memref_squeeze %dma_wait3A_424 : memref<1x64x128xf32, #tpu.memory_space<vmem>> -> memref<64x128xf32, #tpu.memory_space<vmem>>
    tpu.wait_dma2 semaphore(%arg9 : memref<!tpu.dma_semaphore, #tpu.memory_space<semaphore_mem>>) src(%dma_wait3A_425 : memref<64x128xf32, #tpu.memory_space<vmem>>) dst(%dma_wait3A_421 : memref<64x128xf32, #tpu.memory_space<hbm>>)
    return
  }
}

</mosaic_0001>

<sc_bundles>
// kernel: kernel.3.cloned.1.call-start
scs
__scs_entry_jumppad:
0x0: {  	(pc) =	sbr.rel $0x88, $3  }
0x1: {  	(tag) =	ssettag $0x0;
	lr =	simm.s32 $0x1  }
0x2: {  	[smem:$0x3F9F] =	sst lr;
	_ =	strace $0xD0000000  }
0x3: {  	_ = 	snop  }
0x4: {  	_ = 	snop  }
0x5: {  	_ = 	snop  }
0x6: {  	_ = 	snop  }
0x7: {  	_ = 	snop  }
__scs_overlays_trampoline_lowered:
0x8: {  	[smem:$0x3FAE] =	sst s0  }
0x9: {  	[smem:$0x3FAF] =	sst s1  }
0xa: {  	[smem:$0x3FB0] =	sst s2  }
0xb: {  	[smem:$0x3FB1] =	sst s3  }
0xc: {  	[smem:$0x3FB2] =	sst s4  }
0xd: {  	[smem:$0x3FB3] =	sst s5  }
0xe: {  	[smem:$0x3FB4] =	sst s6  }
0xf: {  	[smem:$0x3FB5] =	sst s7  }
0x10: {  	[smem:$0x3FB6] =	sst s8  }
0x11: {  	[smem:$0x3FB7] =	sst s9;
	s0 =	simm.s32 @!p0 $0x0  }
0x12: {  	s1 =	sld [smem:$0x3F9D];
	s0 =	simm.s32 @p0 $0x1  }
0x13: {  	[smem:$0x3FB8] =	sst s0;
	s0 =	simm.s32 @!p1 $0x0  }
0x14: {  	s2 =	sld [smem:$0x3F9C];
	s0 =	simm.s32 @p1 $0x1  }
0x15: {  	[smem:$0x3FB9] =	sst s0;
	s0 =	simm.s32 @!p2 $0x0  }
0x16: {  	s3 =	sld [smem:$0x3FDB];
	s0 =	simm.s32 @p2 $0x1  }
0x17: {  	s4 =	simm.s32 $0x1BF5;
	[smem:$0x3FBB] =	sst s0  }
0x18: {  	s0 =	sld [smem:$0x3F9E];
	_ =	swait.ge [sflag:s4], $0x0  }
0x19: {  	s7 =	sld [smem:$0x3F9F]  }
0x1a: {  	s8 =	sadd.s32 $0xFFFFE003, lr  }
0x1b: {  	s9 =	sadd.s32 $0xFFFFFEF7, lr;
	s5 =	simm.s32 $0xFFFFFFFF;
	p2 =	slt.u32 s8, $0xFFFFF086  }
0x1c: {  	p1 =	slt.u32 s9, $0xF7A;
	s5 =	simm.s32 @!p2 $0x0  }
0x1d: {  	s5 =	simm.s32 @p1 $0x1;
	p0 =	seq.s32 s7, s2  }
0x1e: {  	s7 =	smul.u32 @!p0 $0xF7A, s2;
	p2 =	seq.s32 @!p0 s5, $0x0  }
0x1f: {  	s9 =	smul.u32 $0xF7A, s1;
	s8 =	simm.s32 @!p0 $0x1BF5;
	p2 =	por !p2, p0  }
0x20: {  	[sflag:s8] =	ssyncset.s32 @!p0 $0xFFFFF086;
	s6 =	sadd.s32 @!p0 s3, s7;
	s7 =	simm.s32 @!p0 $0x108  }
0x21: {  	s3 =	sadd.s32 s3, s9;
	s6 =	sadd.s32 @!p0 $0x88, s6;
	s7 =	simm.s32 @p2 $0x1082  }
0x22: {  	[simem:s7], [sflag:s8] =	dma.local @!p0 [hbm:s6], $0xF7A  }
0x23: {  	s9 =	sor.u32 $0xD0000000, s2;
	s6 =	simm.s32 $0x108;
	_ =	swait.ge @!p0 [sflag:s8], $0x0  }
0x24: {  	s3 =	sadd.s32 $0x88, s3;
	s6 =	simm.s32 @!p1 $0x1082;
	[sflag:s4] =	ssyncset.s32 $0xFFFFF086  }
0x25: {  	[simem:s6], [sflag:s4] =	dma.local [hbm:s3], $0xF7A  }
0x26: {  	[smem:$0x3F9F] =	sst s1;
	(tag) =	ssettag s2;
	_ =	strace s9  }
0x27: {  	s1 =	sld [smem:$0x3FAF]  }
0x28: {  	s2 =	sld [smem:$0x3FB0]  }
0x29: {  	s4 =	sld [smem:$0x3FB2]  }
0x2a: {  	p0 =	seq.s32 s5, $0x0;
	s5 =	sld [smem:$0x3FB3]  }
0x2b: {  	s6 =	sld [smem:$0x3FB4]  }
0x2c: {  	s7 =	sld [smem:$0x3FB5]  }
0x2d: {  	s3 =	simm.s32 $0x108;
	s8 =	sld [smem:$0x3FB6]  }
0x2e: {  	s3 =	simm.s32 @!p0 $0x1082;
	s9 =	sld [smem:$0x3FB7]  }
0x2f: {  	lr =	sadd.s32 s0, s3;
	s0 =	sld [smem:$0x3FAE]  }
0x30: {  	s3 =	sld [smem:$0x3FB1]  }
0x31: {  	[smem:$0x3FBA] =	sst s10  }
0x32: {  	s10 =	sld [smem:$0x3FB8];
	_ =	sdelay $0x3  }
0x33: {  	p0 =	seq.s32 s10, $0x1;
	s10 =	sld [smem:$0x3FBA];
	_ =	sdelay $0x3  }
0x34: {  	[smem:$0x3FBA] =	sst s10  }
0x35: {  	s10 =	sld [smem:$0x3FB9];
	_ =	sdelay $0x3  }
0x36: {  	p1 =	seq.s32 s10, $0x1;
	s10 =	sld [smem:$0x3FBA];
	_ =	sdelay $0x3  }
0x37: {  	[smem:$0x3FBA] =	sst s10  }
0x38: {  	s10 =	sld [smem:$0x3FBB]  }
0x39: {  	_ = 	snop;
	(pc) =	sbr.ind lr, $3  }
0x3a: {  	_ = 	snop  }
0x3b: {  	_ = 	snop  }
0x3c: {  	p2 =	seq.s32 s10, $0x1;
	s10 =	sld [smem:$0x3FBA]  }
0x3d: {  	_ =	shalt  }
0x3e: {  	_ =	shalt  }
0x3f: {  	_ =	shalt  }
0x40: {  	_ =	shalt  }
0x41: {  	_ =	shalt  }
0x42: {  	_ =	shalt  }
0x43: {  	_ =	shalt  }
0x44: {  	_ =	shalt  }
0x45: {  	_ =	shalt  }
0x46: {  	_ =	shalt  }
0x47: {  	_ =	shalt  }
0x48: {  	_ =	shalt  }
0x49: {  	_ =	shalt  }
0x4a: {  	_ =	shalt  }
0x4b: {  	_ =	shalt  }
0x4c: {  	_ =	shalt  }
0x4d: {  	_ =	shalt  }
0x4e: {  	_ =	shalt  }
0x4f: {  	_ =	shalt  }
0x50: {  	_ =	shalt  }
0x51: {  	_ =	shalt  }
0x52: {  	_ =	shalt  }
0x53: {  	_ =	shalt  }
0x54: {  	_ =	shalt  }
0x55: {  	_ =	shalt  }
0x56: {  	_ =	shalt  }
0x57: {  	_ =	shalt  }
0x58: {  	_ =	shalt  }
0x59: {  	_ =	shalt  }
0x5a: {  	_ =	shalt  }
0x5b: {  	_ =	shalt  }
0x5c: {  	_ =	shalt  }
0x5d: {  	_ =	shalt  }
0x5e: {  	_ =	shalt  }
0x5f: {  	_ =	shalt  }
0x60: {  	_ =	shalt  }
0x61: {  	_ =	shalt  }
0x62: {  	_ =	shalt  }
0x63: {  	_ =	shalt  }
0x64: {  	_ =	shalt  }
0x65: {  	_ =	shalt  }
0x66: {  	_ =	shalt  }
0x67: {  	_ =	shalt  }
0x68: {  	_ =	shalt  }
0x69: {  	_ =	shalt  }
0x6a: {  	_ =	shalt  }
0x6b: {  	_ =	shalt  }
0x6c: {  	_ =	shalt  }
0x6d: {  	_ =	shalt  }
0x6e: {  	_ =	shalt  }
0x6f: {  	_ =	shalt  }
0x70: {  	_ =	shalt  }
0x71: {  	_ =	shalt  }
0x72: {  	_ =	shalt  }
0x73: {  	_ =	shalt  }
0x74: {  	_ =	shalt  }
0x75: {  	_ =	shalt  }
0x76: {  	_ =	shalt  }
0x77: {  	_ =	shalt  }
0x78: {  	_ =	shalt  }
0x79: {  	_ =	shalt  }
0x7a: {  	_ =	shalt  }
0x7b: {  	_ =	shalt  }
0x7c: {  	_ =	shalt  }
0x7d: {  	_ =	shalt  }
0x7e: {  	_ =	shalt  }
0x7f: {  	_ =	shalt  }
0x80: {  	_ =	shalt  }
0x81: {  	_ =	shalt  }
0x82: {  	_ =	shalt  }
0x83: {  	_ =	shalt  }
0x84: {  	_ =	shalt  }
0x85: {  	_ =	shalt  }
0x86: {  	_ =	shalt  }
0x87: {  	_ =	shalt  }
.Lfunc_end0:
.L_simem_size_0:
called_computation_lowered:
.L_overlay_start_0:
0x88: {  	s2 =	sld [smem:$0x3FD9]  }
0x89: {  	s3 =	sld [smem:$0x3FFE];
	_ =	sdelay $0x1  }
0x8a: {  	s1 =	srdreg.scid  }
0x8b: {  	s0 =	sand.u32 $0x1, s1  }
0x8c: {  	s18 =	sshll.u32 s0, $0xA;
	s2 =	sadd.s32 s3, s2  }
0x8d: {  	s2 =	sadd.s32 s2, s18  }
0x8e: {  	[smem:$0x3FC6] =	sst s2  }
0x8f: {  	_ = 	snop  }
0x90: {  	s2 =	sld [smem:$0x3FC9]  }
0x91: {  	s19 =	sld [smem:$0x3FC8]  }
0x92: {  	s4 =	sld [smem:$0x3FD0];
	(tm) =	ssettm $0x1  }
0x93: {  	s5 =	sld [smem:$0x3FFB];
	_ =	sdelay $0x3  }
0x94: {  	_ =	strace s5  }
0x95: {  	s5 =	sld [smem:$0x3FFC];
	_ =	sdelay $0x3  }
0x96: {  	_ =	strace s5  }
0x97: {  	s5 =	sld [smem:$0x3FFD];
	_ =	sdelay $0x3  }
0x98: {  	_ =	strace s5  }
0x99: {  	_ =	strace $0x8FFFFFFF  }
0x9a: {  	s20 =	sld [smem:$0x3FDB];
	_ =	sdelay $0x1  }
0x9b: {  	s6 =	simm.s32 $_scs_section_size  }
0x9c: {  	s7 =	simm.s32 $_size__tile_overlayer_lowered;
	s8 =	simm.s32 $_tile_overlayer_lowered  }
0x9d: {  	s23 =	simm.s32 $0x1BFF;
	s22 =	sshll.u32 s8, $0x1;
	s5 =	sadd.s32 s6, s20  }
0x9e: {  	s9 =	simm.s32 $0x0;
	s21 =	sshll.u32 s7, $0x1;
	s7 =	sadd.s32 s22, s5  }
0x9f: {  	[timem:s9], [sflag:s23] =	dma.local [hbm:s7], s21  }
0xa0: {  	_ =	swait.ge [sflag:s23], s21  }
0xa1: {  	s6 =	ssub.s32 $0x0, s21;
	[sflag:s23] =	ssyncset.done $0x0  }
0xa2: {  	[sflag:s23] =	ssyncadd.s32 s6;
	_ =	sdelay $0x1  }
0xa3: {  	s24 =	simm.s32 $0x1B8B  }
0xa4: {  	_ =	swait.ge [sflag:s24], $0x1  }
0xa5: {  	[sflag:s24] =	ssyncset.done $0x0  }
0xa6: {  	s25 =	simm.s32 $0x1B8E;
	[sflag:s24] =	ssyncadd.s32 $0xFFFFFFFF  }
0xa7: {  	s26 =	simm.s32 $execute0_lowered;
	[smem:$0x3FD2] =	sst s25  }
0xa8: {  	s6 =	sshll.u32 s26, $0x1;
	_ =	strace $0x80000046;
	[dreg:$0x1] =	wrdreg $0xFFFFFFFF  }
0xa9: {  	s28 =	simm.s32 $_size_execute0_lowered;
	s5 =	sadd.s32 s5, s6;
	[dreg:$0x0] =	wrdreg $0x0  }
0xaa: {  	s6 =	sshll.u32 s28, $0x1;
	[dreg:$0x2] =	wrdreg s5  }
0xab: {  	[dreg:$0x3] =	wrdreg s6  }
0xac: {  	[dreg:$0x4] =	wrdreg $0xC0  }
0xad: {  	_ =	task [dreg:s9], $0x5FFFF  }
0xae: {  	[dreg:$0x1] =	wrdreg $0xFFFFFFFF  }
0xaf: {  	[dreg:$0x0] =	wrdreg $0x60  }
0xb0: {  	[dreg:$0x2] =	wrdreg s2  }
0xb1: {  	[dreg:$0x3] =	wrdreg s19  }
0xb2: {  	[dreg:$0x4] =	wrdreg s4  }
0xb3: {  	[dreg:$0x5] =	wrdreg $0x102000  }
0xb4: {  	[dreg:$0x6] =	wrdreg $0x9  }
0xb5: {  	_ =	task.clear_ibuf [dreg:s9], $0x7FFFF;
	_ =	strace $0x90000046  }
0xb6: {  	s29 =	simm.s32 $0x9;
	_ =	strace $0x80000048  }
0xb7: {  	_ =	swait.ge [sflag:s29], $0x1  }
0xb8: {  	[sflag:s29] =	ssyncadd.s32 $0xFFFFFFFF  }
0xb9: {  	_ =	strace $0x90000048  }
0xba: {  	_ =	sfence  }
0xbb: {  	s30 =	sld [smem:$0x0];
	_ =	sdelay $0x2  }
0xbc: {  	s31 =	sshll.u32 s1, $0xD;
	s1 =	sshrl.u32 s1, $0x2  }
0xbd: {  	s3 =	sand.u32 $0x4000, s31;
	s1 =	sadd.s32 s1, s30  }
0xbe: {  	s0 =	sor.u32 s3, s0;
	s1 =	sshll.u32 s1, $0x11  }
0xbf: {  	s0 =	sor.u32 s1, s0  }
0xc0: {  	s0 =	sadd.s32 $0x8F2B, s0  }
0xc1: {  	[sflag:s0] =	ssyncadd.remote.s32 $0x1  }
0xc2: {  	_ =	sfence.sel $0xFFFF  }
0xc3: {  	[dreg:$0x0] =	wrdreg $0xFFFFFFFF;
	(pc) =	sbr.abs _section_cstart, $3  }
0xc4: {  	[dreg:$0x1] =	wrdreg $0xFFFFFFFF  }
0xc5: {  	_ =	task.clear_ibuf [dreg:s9], $0x2FFFF;
	_ =	strace $0x9FFFFFFF  }
0xc6: {  	(tm) =	ssettm $0x7FFFFFFF  }
0xc7: {  	_ =	shalt  }
tec
execute0_lowered:
.L_overlay_start_1:
0x0: {  	(tag) =	ssettag $0x1  }
0x1: {  	s19 =	stileid.u32  }
0x2: {  	p3 =	sgt.s32 s19, $0x1  }
0x3: {  	p0 =	seq.s32 @p3 s19, $0x2  }
0x4: {  	p1 =	por p0, !p3  }
0x5: {  	p2 =	por !p0, !p3;
	p1 =	seq.s32 @!p1 s19, $0x3  }
0x6: {  	s0 =	rddreg [dreg:$0x0];
	s3 =	simm.s32 @!p2 $0x0;
	p0 =	por @p3 !p1, p0  }
0x7: {  	s13 =	rddreg [dreg:$0x1];
	s3 =	simm.s32 @p2 $0x1;
	p0 =	por p0, !p3  }
0x8: {  	[smem:$0x7FB] =	sst s3;
	s3 =	simm.s32 @!p0 $0x0  }
0x9: {  	s1 =	rddreg [dreg:$0x2];
	s3 =	simm.s32 @p0 $0x1;
	p0 =	sgt.s32 s19, $0x5  }
0xa: {  	s2 =	rddreg [dreg:$0x3];
	p6 =	seq.s32 @!p0 s19, $0x4  }
0xb: {  	s22 =	srdreg.scid;
	s30 =	simm.s32 $0x2;
	p1 =	por p6, p0  }
0xc: {  	s31 =	simm.s32 $0x40;
	p4 =	seq.s32 @!p3 s19, $0x0;
	s4 =	simm.s32 @!p1 $0x0  }
0xd: {  	s20 =	simm.s32 $0xC200;
	p2 =	por p4, p3;
	s4 =	simm.s32 @p1 $0x1  }
0xe: {  	p5 =	seq.s32 @!p2 s19, $0x1;
	p2 =	por !p4, p3;
	[smem:$0x7F9] =	sst s4  }
0xf: {  	p4 =	por @!p3 !p5, p4;
	p5 =	seq.s32 @p0 s19, $0x6;
	s4 =	sld [smem:$0x7F9]  }
0x10: {  	s21 =	simm.s32 $0x1C0;
	p3 =	por p4, p3;
	p4 =	por p5, !p0  }
0x11: {  	s5 =	sshll.u32 s19, $0xA;
	s24 =	sadd.s32 $0x3800, s13;
	p4 =	seq.s32 @!p4 s19, $0x7  }
0x12: {  	p1 =	por @p0 !p4, p5;
	p4 =	por !p5, !p0;
	p5 =	seq.s32 s4, $0x1  }
0x13: {  	s8 =	sadd.s32 $0x3000, s13;
	s9 =	sadd.s32 $0x2800, s13;
	p5 =	seq.s32 @!p5 s19, $0x5  }
0x14: {  	s10 =	sadd.s32 $0x2000, s13;
	s11 =	sadd.s32 $0x1800, s13;
	s4 =	simm.s32 @!p5 $0x0  }
0x15: {  	s12 =	sadd.s32 $0x1000, s13;
	[smem:$0x7FC] =	sst s3;
	s4 =	simm.s32 @p5 $0x1  }
0x16: {  	s13 =	sadd.s32 $0x800, s13;
	s3 =	sand.u32 $0x1, s22;
	[smem:$0x7FA] =	sst s4  }
0x17: {  	s6 =	sshll.u32 s3, $0x9;
	s3 =	ssub.s32 $0x2, s3;
	s4 =	sld [smem:$0x7FA]  }
0x18: {  	s22 =	simm.s32 $0xE200;
	s6 =	sor.u32 s6, s5;
	s23 =	sshrl.u32 s3, $0x1  }
0x19: {  	s7 =	sshrl.u32 s6, $0x3;
	s3 =	ssub.s32 s3, s23;
	s6 =	sshll.u32 s6, $0x4  }
0x1a: {  	p5 =	por p1, !p0;
	p1 =	seq.s32 s4, $0x1;
	s4 =	simm.s32 $0x0  }
0x1b: {  	s23 =	simm.s32 $0x1;
	s5 =	sadd.s32 s0, s7;
	[smem:$0x7FF] =	sst s4  }
0x1c: {  	s0 =	sadd.s32 $0x1C000, s2;
	_ =	strace $0x80000047;
	[dreg:$0x5] =	wrdreg s24  }
0x1d: {  	s7 =	sadd.s32 $0x18000, s2;
	s18 =	smax.u32 s3, $0x1;
	[dreg:$0x6] =	wrdreg s8  }
0x1e: {  	s3 =	simm.s32 $0x200;
	s0 =	sshrl.u32 @!p5 s0, $0x3;
	[dreg:$0x7] =	wrdreg s9  }
0x1f: {  	p1 =	por @!p0 !p1, p6;
	p6 =	por !p6, p0;
	[dreg:$0x8] =	wrdreg s10  }
0x20: {  	p0 =	por p1, p0;
	s8 =	sadd.s32 $0x14000, s2;
	[dreg:$0x9] =	wrdreg s11  }
0x21: {  	s9 =	sadd.s32 $0x10000, s2;
	s10 =	sadd.s32 $0xC000, s2;
	[dreg:$0xa] =	wrdreg s12  }
0x22: {  	s11 =	sadd.s32 $0x8000, s2;
	s12 =	sadd.s32 $0x4000, s2;
	[dreg:$0xb] =	wrdreg s13  }
0x23: {  	s13 =	sadd.s32 s1, s6;
	[dreg:$0x10] =	wrdreg s0;
	s6 =	simm.s32 $0x4200  }
0x24: {  	s14 =	sadd.s32 $0x400, s13;
	s15 =	sadd.s32 $0x800, s13;
	s25 =	sld [smem:$0x7FB]  }
0x25: {  	s16 =	sadd.s32 $0xC00, s13;
	s17 =	sadd.s32 $0x1000, s13;
	s26 =	sld [smem:$0x7FC]  }
0x26: {  	s0 =	sshrl.u32 @!p6 s9, $0x3;
	s28 =	sadd.s32 $0x1800, s13;
	s29 =	sadd.s32 $0x1C00, s13  }
0x27: {  	s9 =	simm.s32 $0x100;
	[dreg:$0x11] =	wrdreg s0;
	s0 =	sshrl.u32 @!p0 s8, $0x3  }
0x28: {  	s8 =	simm.s32 $0x6200;
	[dreg:$0x12] =	wrdreg s0;
	p1 =	seq.s32 s25, $0x1  }
0x29: {  	s1 =	sshrl.u32 @!p1 s11, $0x3;
	p1 =	seq.s32 s26, $0x1;
	s26 =	sadd.s32 $0x1400, s13  }
0x2a: {  	s11 =	simm.s32 $0x140;
	[dreg:$0xc] =	wrdreg s1;
	s1 =	sshrl.u32 @!p1 s10, $0x3  }
.Ltmp0:
0x2b: {  	p1 =	sgt.s32 s19, $0x3;
	s10 =	simm.s32 $0x8200;
	(pc) =	sbr.rel .LBB2_1-.Ltmp0, $4  }
0x2c: {  	s19 =	simm.s32 $0x180;
	[dreg:$0xd] =	wrdreg s1;
	s1 =	sshrl.u32 @!p3 s12, $0x3  }
0x2d: {  	s0 =	simm.s32 @!p1 $0x0;
	[dreg:$0xe] =	wrdreg s1;
	s1 =	sshrl.u32 @!p4 s7, $0x3  }
0x2e: {  	s12 =	simm.s32 $0xA200;
	s0 =	simm.s32 @p1 $0x1;
	[dreg:$0xf] =	wrdreg s1  }
0x2f: {  	s7 =	simm.s32 $0xC0;
	[smem:$0x7FD] =	sst s0;
	s0 =	simm.s32 $0x2200  }
.LBB2_3:
0x30: {  	s1 =	rddreg [dreg:$0x6]  }
0x31: {  	s24 =	simm.s32 @!p4 $0x1D83;
	s25 =	rddreg [dreg:$0xf]  }
0x32: {  	[spmem:s25], [sflag:s24] =	dma.local @!p4 [hbm:s1], $0x800  }
0x33: {  	s24 =	simm.s32 @!p4 $0x3  }
0x34: {  	_ =	swait.ge @!p4 [sflag:s24], $0x800  }
0x35: {  	[sflag:s24] =	ssyncset.done @!p4 $0x0;
	s1 =	rddreg [dreg:$0x5]  }
0x36: {  	s25 =	rddreg [dreg:$0x10];
	[sflag:s24] =	ssyncadd.s32 @!p4 $0xFFFFF800;
	s24 =	simm.s32 @!p5 $0x1DC3  }
0x37: {  	[spmem:s25], [sflag:s24] =	dma.local @!p5 [hbm:s1], $0x680  }
0x38: {  	s24 =	simm.s32 @!p5 $0x3  }
0x39: {  	_ =	swait.ge @!p5 [sflag:s24], $0x680  }
0x3a: {  	[sflag:s24] =	ssyncset.done @!p5 $0x0;
	s1 =	rddreg [dreg:$0x8]  }
0x3b: {  	s25 =	rddreg [dreg:$0x11];
	[sflag:s24] =	ssyncadd.s32 @!p5 $0xFFFFF980;
	s24 =	simm.s32 @!p6 $0x1D03  }
0x3c: {  	[spmem:s25], [sflag:s24] =	dma.local @!p6 [hbm:s1], $0x800  }
0x3d: {  	s24 =	simm.s32 @!p6 $0x3  }
0x3e: {  	_ =	swait.ge @!p6 [sflag:s24], $0x800  }
0x3f: {  	[sflag:s24] =	ssyncset.done @!p6 $0x0;
	s1 =	rddreg [dreg:$0x7]  }
0x40: {  	s25 =	rddreg [dreg:$0x12];
	[sflag:s24] =	ssyncadd.s32 @!p6 $0xFFFFF800;
	s24 =	simm.s32 @!p0 $0x1D43  }
0x41: {  	[spmem:s25], [sflag:s24] =	dma.local @!p0 [hbm:s1], $0x800  }
0x42: {  	s24 =	simm.s32 @!p0 $0x3  }
0x43: {  	_ =	swait.ge @!p0 [sflag:s24], $0x800  }
0x44: {  	[sflag:s24] =	ssyncset.done @!p0 $0x0  }
0x45: {  	[sflag:s24] =	ssyncadd.s32 @!p0 $0xFFFFF800  }
.LBB2_4:
0x46: {  	_ =	swait.ge [sflag:s30], $0x200  }
0x47: {  	[sflag:s30] =	ssyncset.done $0x0  }
0x48: {  	[sflag:s30] =	ssyncadd.s32 $0xFFFFFE00  }
0x49: {  	[bflag:$0x0] =	sbarrier.arrive $0xFFFF  }
0x4a: {  	[tilespmem:s3], [sflag:$0x1] =	stream.indirect.gather [spmem:s2], $0x80, s4, s31, $0xb8;
	[tilespmem:$0x12140] =	vst v63  }
0x4b: {  	_ = 	snop  }
0x4c: {  	[tilespmem:s0], [sflag:$0x1] =	stream.indirect.gather [spmem:s2], $0x80, s31, s31, $0xb8;
	[tilespmem:$0x12140] =	vst v63  }
0x4d: {  	s1 =	simm.s32 $0x80  }
0x4e: {  	[tilespmem:s6], [sflag:$0x1] =	stream.indirect.gather [spmem:s2], $0x80, s1, s31, $0xb8;
	[tilespmem:$0x12140] =	vst v63  }
0x4f: {  	_ = 	snop  }
0x50: {  	[tilespmem:s8], [sflag:$0x1] =	stream.indirect.gather [spmem:s2], $0x80, s7, s31, $0xb8;
	[tilespmem:$0x12140] =	vst v63  }
0x51: {  	_ = 	snop  }
0x52: {  	[tilespmem:s10], [sflag:$0x1] =	stream.indirect.gather [spmem:s2], $0x80, s9, s31, $0xb8;
	[tilespmem:$0x12140] =	vst v63  }
0x53: {  	_ = 	snop  }
0x54: {  	[tilespmem:s12], [sflag:$0x1] =	stream.indirect.gather [spmem:s2], $0x80, s11, s31, $0xb8;
	[tilespmem:$0x12140] =	vst v63  }
0x55: {  	_ = 	snop  }
0x56: {  	[tilespmem:s20], [sflag:$0x1] =	stream.indirect.gather [spmem:s2], $0x80, s19, s31, $0xb8;
	[tilespmem:$0x12140] =	vst v63  }
0x57: {  	_ = 	snop  }
0x58: {  	[tilespmem:s22], [sflag:$0x1] =	stream.indirect.gather [spmem:s2], $0x80, s21, s31, $0xb8;
	[tilespmem:$0x12140] =	vst v63  }
0x59: {  	_ =	swait.ge [sflag:s23], $0x2000  }
0x5a: {  	[sflag:s23] =	ssyncset.done $0x0  }
0x5b: {  	[sflag:s23] =	ssyncadd.s32 $0xFFFFE000  }
0x5c: {  	[hbm4b:s13+s4] =	stream.linear.scatter [tilespmem:s3], [sflag:$0x2], $0x2000, $0x38;
	[tilespmem:$0x12140] =	vst v63  }
0x5d: {  	_ =	swait.ge [sflag:s23], $0x2000  }
0x5e: {  	[sflag:s23] =	ssyncset.done $0x0  }
0x5f: {  	[sflag:s23] =	ssyncadd.s32 $0xFFFFE000  }
0x60: {  	[hbm4b:s14+s4] =	stream.linear.scatter [tilespmem:s0], [sflag:$0x2], $0x2000, $0x38;
	[tilespmem:$0x12140] =	vst v63  }
0x61: {  	_ =	swait.ge [sflag:s23], $0x2000  }
0x62: {  	[sflag:s23] =	ssyncset.done $0x0  }
0x63: {  	[sflag:s23] =	ssyncadd.s32 $0xFFFFE000  }
0x64: {  	[hbm4b:s15+s4] =	stream.linear.scatter [tilespmem:s6], [sflag:$0x2], $0x2000, $0x38;
	[tilespmem:$0x12140] =	vst v63  }
0x65: {  	_ =	swait.ge [sflag:s23], $0x2000  }
0x66: {  	[sflag:s23] =	ssyncset.done $0x0  }
0x67: {  	[sflag:s23] =	ssyncadd.s32 $0xFFFFE000  }
0x68: {  	[hbm4b:s16+s4] =	stream.linear.scatter [tilespmem:s8], [sflag:$0x2], $0x2000, $0x38;
	[tilespmem:$0x12140] =	vst v63  }
0x69: {  	_ =	swait.ge [sflag:s23], $0x2000  }
0x6a: {  	[sflag:s23] =	ssyncset.done $0x0  }
0x6b: {  	[sflag:s23] =	ssyncadd.s32 $0xFFFFE000  }
0x6c: {  	[hbm4b:s17+s4] =	stream.linear.scatter [tilespmem:s10], [sflag:$0x2], $0x2000, $0x38;
	[tilespmem:$0x12140] =	vst v63  }
0x6d: {  	_ =	swait.ge [sflag:s23], $0x2000  }
0x6e: {  	[sflag:s23] =	ssyncset.done $0x0  }
0x6f: {  	[sflag:s23] =	ssyncadd.s32 $0xFFFFE000  }
0x70: {  	[hbm4b:s26+s4] =	stream.linear.scatter [tilespmem:s12], [sflag:$0x2], $0x2000, $0x38;
	[tilespmem:$0x12140] =	vst v63  }
0x71: {  	_ =	swait.ge [sflag:s23], $0x2000  }
0x72: {  	[sflag:s23] =	ssyncset.done $0x0  }
0x73: {  	[sflag:s23] =	ssyncadd.s32 $0xFFFFE000  }
0x74: {  	[hbm4b:s28+s4] =	stream.linear.scatter [tilespmem:s20], [sflag:$0x2], $0x2000, $0x38;
	[tilespmem:$0x12140] =	vst v63  }
0x75: {  	_ =	swait.ge [sflag:s23], $0x2000  }
0x76: {  	[sflag:s23] =	ssyncset.done $0x0  }
0x77: {  	[sflag:s23] =	ssyncadd.s32 $0xFFFFE000  }
0x78: {  	[hbm4b:s29+s4] =	stream.linear.scatter [tilespmem:s22], [sflag:$0x2], $0x2000, $0x38;
	[tilespmem:$0x12140] =	vst v63  }
0x79: {  	_ =	swait.ge [sflag:s30], $0x2000  }
0x7a: {  	[sflag:s30] =	ssyncset.done $0x0  }
0x7b: {  	[sflag:s30] =	ssyncadd.s32 $0xFFFFE000  }
0x7c: {  	_ =	swait.ge [sflag:s30], $0x2000  }
0x7d: {  	[sflag:s30] =	ssyncset.done $0x0  }
0x7e: {  	[sflag:s30] =	ssyncadd.s32 $0xFFFFE000  }
0x7f: {  	_ =	swait.ge [sflag:s30], $0x2000  }
0x80: {  	[sflag:s30] =	ssyncset.done $0x0  }
0x81: {  	[sflag:s30] =	ssyncadd.s32 $0xFFFFE000  }
0x82: {  	_ =	swait.ge [sflag:s30], $0x2000  }
0x83: {  	[sflag:s30] =	ssyncset.done $0x0  }
0x84: {  	[sflag:s30] =	ssyncadd.s32 $0xFFFFE000  }
0x85: {  	_ =	swait.ge [sflag:s30], $0x2000  }
0x86: {  	[sflag:s30] =	ssyncset.done $0x0  }
0x87: {  	[sflag:s30] =	ssyncadd.s32 $0xFFFFE000  }
0x88: {  	_ =	swait.ge [sflag:s30], $0x2000  }
0x89: {  	[sflag:s30] =	ssyncset.done $0x0  }
0x8a: {  	s18 =	sadd.s32 $0xFFFFFFFF, s18;
	[sflag:s30] =	ssyncadd.s32 $0xFFFFE000  }
0x8b: {  	p1 =	sne.s32 s18, $0x0;
	_ =	swait.ge [sflag:s30], $0x2000  }
.Ltmp1:
0x8c: {  	[sflag:s30] =	ssyncset.done $0x0;
	(pc) =	sbr.rel @!p1 .LBB2_5-.Ltmp1, $4  }
0x8d: {  	[sflag:s30] =	ssyncadd.s32 $0xFFFFE000  }
0x8e: {  	_ =	swait.ge [sflag:s30], $0x2000  }
0x8f: {  	[sflag:s30] =	ssyncset.done $0x0  }
0x90: {  	[sflag:s30] =	ssyncadd.s32 $0xFFFFE000  }
.LBB2_1:
0x91: {  	s1 =	sld [smem:$0x7FD];
	_ =	sdelay $0x2  }
0x92: {  	p1 =	seq.s32 s1, $0x1  }
.Ltmp2:
0x93: {  	_ = 	snop;
	(pc) =	sbr.rel @p1 .LBB2_3-.Ltmp2, $2  }
0x94: {  	_ =	sdelay $0x2  }
0x95: {  	[tilespmem:s4], [sflag:$0x2] =	stream.linear.gather [hbm4b:s5+s4], $0x200, $0x38;
	[tilespmem:$0x12140] =	vst v63  }
0x96: {  	s1 =	sld [smem:$0x7FB];
	_ =	sdelay $0x2  }
0x97: {  	s25 =	rddreg [dreg:$0xc];
	p1 =	seq.s32 s1, $0x1  }
0x98: {  	s1 =	rddreg [dreg:$0xa];
	s24 =	simm.s32 @!p1 $0x1C83  }
0x99: {  	[spmem:s25], [sflag:s24] =	dma.local @!p1 [hbm:s1], $0x800  }
0x9a: {  	s24 =	simm.s32 @!p1 $0x3  }
0x9b: {  	_ =	swait.ge @!p1 [sflag:s24], $0x800  }
0x9c: {  	s25 =	sld [smem:$0x7FC];
	_ =	sdelay $0x1  }
0x9d: {  	[sflag:s24] =	ssyncset.done @!p1 $0x0  }
0x9e: {  	s1 =	rddreg [dreg:$0x9];
	[sflag:s24] =	ssyncadd.s32 @!p1 $0xFFFFF800;
	p1 =	seq.s32 s25, $0x1  }
0x9f: {  	s25 =	rddreg [dreg:$0xd];
	s24 =	simm.s32 @!p1 $0x1CC3  }
0xa0: {  	[spmem:s25], [sflag:s24] =	dma.local @!p1 [hbm:s1], $0x800  }
0xa1: {  	s24 =	simm.s32 @!p1 $0x3  }
0xa2: {  	_ =	swait.ge @!p1 [sflag:s24], $0x800  }
0xa3: {  	[sflag:s24] =	ssyncset.done @!p1 $0x0  }
0xa4: {  	[sflag:s24] =	ssyncadd.s32 @!p1 $0xFFFFF800  }
0xa5: {  	s25 =	simm.s32 @!p2 $0x1C03;
	s24 =	sshrl.u32 @!p2 s2, $0x3;
	s1 =	rddreg [dreg:$0x1]  }
0xa6: {  	[spmem:s24], [sflag:s25] =	dma.local @!p2 [hbm:s1], $0x800  }
0xa7: {  	s24 =	simm.s32 @!p2 $0x3  }
0xa8: {  	_ =	swait.ge @!p2 [sflag:s24], $0x800  }
0xa9: {  	[sflag:s24] =	ssyncset.done @!p2 $0x0;
	s1 =	rddreg [dreg:$0xb]  }
0xaa: {  	s25 =	rddreg [dreg:$0xe];
	[sflag:s24] =	ssyncadd.s32 @!p2 $0xFFFFF800;
	s24 =	simm.s32 @!p3 $0x1C43  }
0xab: {  	[spmem:s25], [sflag:s24] =	dma.local @!p3 [hbm:s1], $0x800  }
.Ltmp3:
0xac: {  	_ = 	snop;
	(pc) =	sbr.rel .LBB2_4-.Ltmp3, $4  }
0xad: {  	s24 =	simm.s32 @!p3 $0x3  }
0xae: {  	_ =	swait.ge @!p3 [sflag:s24], $0x800  }
0xaf: {  	[sflag:s24] =	ssyncset.done @!p3 $0x0  }
0xb0: {  	[sflag:s24] =	ssyncadd.s32 @!p3 $0xFFFFF800  }
.LBB2_5:
0xb1: {  	_ =	sfence.sel $0x180000  }
0xb2: {  	[bflag:$0x0] =	sbarrier.arrive $0xFFFF  }
0xb3: {  	_ =	strace $0x90000047  }
0xb4: {  	s0 =	stileid.u32;
	[bflag:$0x2] =	sbarrier.arrive $0xFFFF  }
0xb5: {  	p0 =	sne.s32 s0, $0x0;
	s0 =	rddreg [dreg:$0x4]  }
0xb6: {  	s0 =	sadd.s32 @!p0 $0x100000, s0  }
0xb7: {  	[sflag:s0] =	ssyncadd.tile.s32 @!p0 $0x1;
	_ =	shalt  }
.Lfunc_end2:
_tile_overlayer_lowered:
.L_overlay_start_2:
0xb8: {  	(tag) =	ssettag $0x2  }
0xb9: {  	s0 =	rddreg [dreg:$0x0];
	s2 =	stileid.u32  }
0xba: {  	s1 =	rddreg [dreg:$0x1];
	p0 =	sne.s32 s2, $0x0  }
0xbb: {  	s3 =	rddreg [dreg:$0x2];
	[bflag:$0x3] =	sbarrier.arrive $0xFFFF;
	s2 =	simm.s32 @!p0 $0x1C03  }
0xbc: {  	[timem:s3], [sflag:s2] =	dma.local @!p0 [hbm:s0], s1  }
0xbd: {  	s0 =	simm.s32 @!p0 $0x3  }
0xbe: {  	_ =	swait.ge @!p0 [sflag:s0], s1  }
0xbf: {  	s1 =	ssub.s32 @!p0 $0x0, s1;
	[sflag:s0] =	ssyncset.done @!p0 $0x0  }
0xc0: {  	[sflag:s0] =	ssyncadd.s32 @!p0 s1  }
0xc1: {  	[bflag:$0x3] =	sbarrier.arrive $0xFFFF  }
0xc2: {  	_ =	shalt  }

</sc_bundles>
